<compile_context>
chip_gen: v7x
topology: tpu7x:2x2x1
jax: 0.10.2.dev20260603
libtpu: 0.0.44.dev20260713+nightly
codegen_flags: <defaults>
</compile_context>

<pallas_src>
import functools

import jax
import jax.numpy as jnp
from jax import lax
from jax.experimental import pallas as pl
from jax.experimental.pallas import tpu as pltpu
from jax.experimental.pallas import tpu_sc as plsc

_NP = 10240
_G = 64
_NW = 32
_CHUNK = 128
_RPS = _NP // 16
_BLK = 2048
_NBLK = _NP // _BLK


def _sc_degree(dst3):
    K = dst3.shape[1]
    mesh = plsc.VectorSubcoreMesh(core_axis_name="c", subcore_axis_name="s")

    @functools.partial(
        pl.kernel,
        out_type=jax.ShapeDtypeStruct((2, _NP), jnp.float32),
        mesh=mesh,
        scratch_types=[
            pltpu.VMEM((K, _CHUNK), jnp.int32),
            pltpu.VMEM((_CHUNK,), jnp.float32),
            pltpu.VMEM((_RPS,), jnp.float32),
            pltpu.VMEM_SHARED((_NP,), jnp.float32),
        ],
        compiler_params=pltpu.CompilerParams(use_tc_tiling_on_sc=False),
    )
    def k(dst_hbm, out_hbm, idx_v, ones_v, row_v, deg_sh):
        cid = lax.axis_index("c")
        sid = lax.axis_index("s")
        wid = sid * 2 + cid
        pltpu.sync_copy(dst_hbm.at[wid], idx_v)
        for i in range(_CHUNK // 16):
            ones_v[pl.ds(i * 16, 16)] = jnp.ones((16,), jnp.float32)

        def zfill(i, c):
            row_v[pl.ds(i * 16, 16)] = jnp.zeros((16,), jnp.float32)
            return c

        lax.fori_loop(0, _RPS // 16, zfill, 0)
        pltpu.sync_copy(row_v, deg_sh.at[pl.ds(sid * _RPS, _RPS)])
        plsc.subcore_barrier()

        def body(j, c):
            pltpu.sync_copy(ones_v, deg_sh.at[idx_v.at[j]], add=True)
            return c

        lax.fori_loop(0, K, body, 0)
        plsc.subcore_barrier()
        pltpu.sync_copy(deg_sh.at[pl.ds(sid * _RPS, _RPS)], row_v)
        pltpu.sync_copy(row_v, out_hbm.at[cid, pl.ds(sid * _RPS, _RPS)])

    return k(dst3)


def _sc_aggregate(p, src3, dst3):
    K = src3.shape[1]
    mesh = plsc.VectorSubcoreMesh(core_axis_name="c", subcore_axis_name="s")

    @functools.partial(
        pl.kernel,
        out_type=jax.ShapeDtypeStruct((2, _NP, 64), jnp.float32),
        mesh=mesh,
        scratch_types=[
            pltpu.VMEM((K, _CHUNK), jnp.int32),
            pltpu.VMEM((K, _CHUNK), jnp.int32),
            pltpu.VMEM((_CHUNK, 64), jnp.float32),
            pltpu.VMEM((64, 64), jnp.float32),
            pltpu.VMEM_SHARED((_NP, 64), jnp.float32),
        ],
        compiler_params=pltpu.CompilerParams(use_tc_tiling_on_sc=False),
    )
    def k(p_hbm, src_hbm, dst_hbm, out_hbm, si_v, di_v, gbuf, zbuf, q_sh):
        cid = lax.axis_index("c")
        sid = lax.axis_index("s")
        wid = sid * 2 + cid
        pltpu.sync_copy(src_hbm.at[wid], si_v)
        pltpu.sync_copy(dst_hbm.at[wid], di_v)

        def zfill(i, c):
            for t in range(4):
                zbuf[i, pl.ds(t * 16, 16)] = jnp.zeros((16,), jnp.float32)
            return c

        lax.fori_loop(0, 64, zfill, 0)

        def zcopy(t, c):
            pltpu.sync_copy(zbuf, q_sh.at[pl.ds(sid * _RPS + t * 64, 64)])
            return c

        lax.fori_loop(0, _RPS // 64, zcopy, 0)
        plsc.subcore_barrier()

        def body(j, c):
            pltpu.sync_copy(p_hbm.at[si_v.at[j]], gbuf)
            pltpu.sync_copy(gbuf, q_sh.at[di_v.at[j]], add=True)
            return c

        lax.fori_loop(0, K, body, 0)
        plsc.subcore_barrier()

        def ocopy(t, c):
            r = sid * _RPS + t * _CHUNK
            pltpu.sync_copy(q_sh.at[pl.ds(r, _CHUNK)], gbuf)
            pltpu.sync_copy(gbuf, out_hbm.at[cid, pl.ds(r, _CHUNK)])
            return c

        lax.fori_loop(0, _RPS // _CHUNK, ocopy, 0)

    return k(p, src3, dst3)


def _tc_layer1(x_pad, degp, W1):
    def body(x_ref, d_ref, w_ref, o_ref):
        dinv = lax.rsqrt(d_ref[0] + d_ref[1] + 1.0)
        h = jnp.dot(x_ref[...], w_ref[...], preferred_element_type=jnp.float32)
        o_ref[...] = h * dinv[:, None]

    return pl.pallas_call(
        body,
        grid=(_NBLK,),
        in_specs=[
            pl.BlockSpec((_BLK, 128), lambda i: (i, 0)),
            pl.BlockSpec((2, _BLK), lambda i: (0, i)),
            pl.BlockSpec((128, 64), lambda i: (0, 0)),
        ],
        out_specs=pl.BlockSpec((_BLK, 64), lambda i: (i, 0)),
        out_shape=jax.ShapeDtypeStruct((_NP, 64), jnp.float32),
    )(x_pad, degp, W1)


def _tc_layer2(degp, qp, p1, W2, b1):
    def body(d_ref, q_ref, p_ref, w_ref, b_ref, o_ref):
        dinv = lax.rsqrt(d_ref[0] + d_ref[1] + 1.0)
        agg = q_ref[0] + q_ref[1] + p_ref[...]
        r = jnp.maximum(agg * dinv[:, None] + b_ref[...], 0.0)
        h2 = jnp.dot(r, w_ref[...], preferred_element_type=jnp.float32)
        o_ref[...] = h2 * dinv[:, None]

    return pl.pallas_call(
        body,
        grid=(_NBLK,),
        in_specs=[
            pl.BlockSpec((2, _BLK), lambda i: (0, i)),
            pl.BlockSpec((2, _BLK, 64), lambda i: (0, i, 0)),
            pl.BlockSpec((_BLK, 64), lambda i: (i, 0)),
            pl.BlockSpec((64, 64), lambda i: (0, 0)),
            pl.BlockSpec((1, 64), lambda i: (0, 0)),
        ],
        out_specs=pl.BlockSpec((_BLK, 64), lambda i: (i, 0)),
        out_shape=jax.ShapeDtypeStruct((_NP, 64), jnp.float32),
    )(degp, qp, p1, W2, b1)


def _tc_final(degp, qp, p2, b2, batch3, Wh, bh):
    def body(d_ref, q_ref, p_ref, b_ref, bat_ref, wh_ref, bh_ref, o_ref,
             acc_s, cnt_s):
        i = pl.program_id(0)

        @pl.when(i == 0)
        def _():
            acc_s[...] = jnp.zeros_like(acc_s)
            cnt_s[...] = jnp.zeros_like(cnt_s)

        dinv = lax.rsqrt(d_ref[0] + d_ref[1] + 1.0)
        agg = q_ref[0] + q_ref[1] + p_ref[...]
        r = jnp.maximum(agg * dinv[:, None] + b_ref[...], 0.0)
        gids = lax.broadcasted_iota(jnp.int32, (_G, _BLK), 0)
        m = (bat_ref[0] == gids).astype(jnp.float32)
        acc_s[...] += jnp.dot(m, r, preferred_element_type=jnp.float32)
        cnt_s[...] += jnp.sum(m, axis=1, keepdims=True)

        @pl.when(i == _NBLK - 1)
        def _():
            pooled = acc_s[...] / jnp.maximum(cnt_s[...], 1.0)
            o_ref[...] = (
                jnp.dot(pooled, wh_ref[...], preferred_element_type=jnp.float32)
                + bh_ref[...]
            )

    return pl.pallas_call(
        body,
        grid=(_NBLK,),
        in_specs=[
            pl.BlockSpec((2, _BLK), lambda i: (0, i)),
            pl.BlockSpec((2, _BLK, 64), lambda i: (0, i, 0)),
            pl.BlockSpec((_BLK, 64), lambda i: (i, 0)),
            pl.BlockSpec((1, 64), lambda i: (0, 0)),
            pl.BlockSpec((1, 1, _BLK), lambda i: (i, 0, 0)),
            pl.BlockSpec((64, 20), lambda i: (0, 0)),
            pl.BlockSpec((1, 20), lambda i: (0, 0)),
        ],
        out_specs=pl.BlockSpec((_G, 20), lambda i: (0, 0)),
        out_shape=jax.ShapeDtypeStruct((_G, 20), jnp.float32),
        scratch_shapes=[
            pltpu.VMEM((_G, 64), jnp.float32),
            pltpu.VMEM((_G, 1), jnp.float32),
        ],
    )(degp, qp, p2, b2, batch3, Wh, bh)


def kernel(x, edge_index, batch, W1, b1, W2, b2, Wh, bh):
    N, D = x.shape
    E = edge_index.shape[1]
    K = -(-E // (_NW * _CHUNK))
    EP = _NW * K * _CHUNK

    x_pad = jnp.zeros((_NP, D), x.dtype).at[:N].set(x)
    pad_idx = jnp.full((EP - E,), _NP - 1, jnp.int32)
    src3 = jnp.concatenate([edge_index[0], pad_idx]).reshape(_NW, K, _CHUNK)
    dst3 = jnp.concatenate([edge_index[1], pad_idx]).reshape(_NW, K, _CHUNK)
    bat_pad = jnp.concatenate(
        [batch, jnp.full((_NP - N,), _G, jnp.int32)]
    ).reshape(_NBLK, 1, _BLK)
    b1r = b1.reshape(1, -1)
    b2r = b2.reshape(1, -1)
    bhr = bh.reshape(1, -1)

    degp = _sc_degree(dst3)
    p1 = _tc_layer1(x_pad, degp, W1)
    q1 = _sc_aggregate(p1, src3, dst3)
    p2 = _tc_layer2(degp, q1, p1, W2, b1r)
    q2 = _sc_aggregate(p2, src3, dst3)
    return _tc_final(degp, q2, p2, b2r, bat_pad, Wh, bhr)

# --- scband reference (transcript-rebuilt; emitter-appended) ---
"""Pipeline reference for scband-lens-gnn-85727547228186 (READ-ONLY COPY).

The authoritative reference and input builder live on the scoring server;
editing this copy changes nothing except your own understanding.
"""

import jax, jax.numpy as jnp
import numpy as np

N = 10000
E = 320000
D = 128
H = 64
OUT = 20
G = 64


def setup_inputs(seed: int = 0) -> dict:
    key = jax.random.key(seed)
    ks = jax.random.split(key, 10)
    x = jax.random.normal(ks[0], (N, D), dtype=jnp.float32)
    edge_index = jax.random.randint(ks[1], (2, E), 0, N).astype(jnp.int32)
    batch = jnp.sort(jax.random.randint(ks[2], (N,), 0, G)).astype(jnp.int32)
    W1 = jax.random.normal(ks[3], (D, H), dtype=jnp.float32) * (1.0 / np.sqrt(D))
    b1 = jnp.zeros((H,), dtype=jnp.float32)
    W2 = jax.random.normal(ks[4], (H, H), dtype=jnp.float32) * (1.0 / np.sqrt(H))
    b2 = jnp.zeros((H,), dtype=jnp.float32)
    Wh = jax.random.normal(ks[5], (H, OUT), dtype=jnp.float32) * (1.0 / np.sqrt(H))
    bh = jnp.zeros((OUT,), dtype=jnp.float32)
    return {"x": x, "edge_index": edge_index, "batch": batch,
            "W1": W1, "b1": b1, "W2": W2, "b2": b2, "Wh": Wh, "bh": bh}


def _gcn_conv(x, W, b, src, dst, n):
    # GCNConv: symmetric normalization with self-loops:
    # out = D^{-1/2} (A + I) D^{-1/2} (x W) + b
    loop = jnp.arange(n, dtype=src.dtype)
    src_sl = jnp.concatenate([src, loop])
    dst_sl = jnp.concatenate([dst, loop])
    deg = jax.ops.segment_sum(jnp.ones_like(src_sl, dtype=x.dtype), dst_sl, num_segments=n)
    dinv = jnp.where(deg > 0, deg ** -0.5, 0.0)
    h = x @ W
    norm = dinv[src_sl] * dinv[dst_sl]
    msg = h[src_sl] * norm[:, None]
    out = jax.ops.segment_sum(msg, dst_sl, num_segments=n)
    return out + b


def reference(x, edge_index, batch, W1, b1, W2, b2, Wh, bh):
    src = edge_index[0]
    dst = edge_index[1]
    h = jax.nn.relu(_gcn_conv(x, W1, b1, src, dst, N))
    h = jax.nn.relu(_gcn_conv(h, W2, b2, src, dst, N))
    # global_mean_pool over `batch` segment ids
    counts = jax.ops.segment_sum(jnp.ones((N,), dtype=h.dtype), batch, num_segments=G)
    sums = jax.ops.segment_sum(h, batch, num_segments=G)
    pooled = sums / jnp.maximum(counts, 1.0)[:, None]
    # dropout is identity in eval mode
    return pooled @ Wh + bh

if __name__ == "__main__":
    import jax
    _d = setup_inputs()
    print(jax.jit(kernel)(*tuple(_d.values())))

</pallas_src>

<mosaic_0001>
#map = affine_map<(d0, d1) -> (0, 0)>
#map1 = affine_map<(d0, d1) -> (0, 0, 0)>
module attributes {stable_mosaic.version = 14 : i64} {
  func.func @k(%arg0: i32, %arg1: i32, %arg2: memref<10240x64xf32, #tpu.memory_space<hbm>>, %arg3: memref<32x79x128xi32, #tpu.memory_space<hbm>>, %arg4: memref<32x79x128xi32, #tpu.memory_space<hbm>>, %arg5: memref<2x10240x64xf32, #tpu.memory_space<hbm>>, %arg6: memref<79x128xi32, #tpu.memory_space<vmem>>, %arg7: memref<79x128xi32, #tpu.memory_space<vmem>>, %arg8: memref<128x64xf32, #tpu.memory_space<vmem>>, %arg9: memref<64x64xf32, #tpu.memory_space<vmem>>, %arg10: memref<10240x64xf32, #tpu.memory_space<vmem_shared>>) attributes {dimension_semantics = [#tpu.dimension_semantics<core_parallel>, #tpu.dimension_semantics<subcore_parallel>], iteration_bounds = array<i64: 2, 16>, scalar_prefetch = 0 : i64, scratch_operands = 5 : i64, tpu.core_type = #tpu.core_type<sc_vector_subcore>, window_params = [{transform_indices = #map}, {transform_indices = #map1}, {transform_indices = #map1}, {transform_indices = #map1}]} {
    %mul3A = arith.constant 2 : i32
    %mul3A_0 = arith.muli %arg1, %mul3A : i32
    %add3A = arith.addi %mul3A_0, %arg0 : i32
    "tpu.region"() ({
      %run_scoped3A = tpu.sem_alloc : memref<!tpu.dma_semaphore, #tpu.memory_space<semaphore_mem>>
      %dma_start3A = arith.constant 0 : i32
      %dma_start3A_25 = arith.constant 0 : i32
      %dma_start3A_26 = tpu.memref_slice %arg3[%add3A, %dma_start3A, %dma_start3A_25] : memref<32x79x128xi32, #tpu.memory_space<hbm>> -> memref<1x79x128xi32, #tpu.memory_space<hbm>>
      %dma_start3A_27 = tpu.memref_squeeze %dma_start3A_26 : memref<1x79x128xi32, #tpu.memory_space<hbm>> -> memref<79x128xi32, #tpu.memory_space<hbm>>
      %dma_start3A_28 = arith.constant 0 : i32
      %dma_start3A_29 = arith.constant 0 : i32
      %dma_start3A_30 = tpu.memref_slice %arg3[%add3A, %dma_start3A_28, %dma_start3A_29] : memref<32x79x128xi32, #tpu.memory_space<hbm>> -> memref<1x79x128xi32, #tpu.memory_space<hbm>>
      %dma_start3A_31 = tpu.memref_squeeze %dma_start3A_30 : memref<1x79x128xi32, #tpu.memory_space<hbm>> -> memref<79x128xi32, #tpu.memory_space<hbm>>
      tpu.enqueue_dma source(%dma_start3A_31 : memref<79x128xi32, #tpu.memory_space<hbm>>) target(%arg6 : memref<79x128xi32, #tpu.memory_space<vmem>>) target_semaphore(%run_scoped3A : memref<!tpu.dma_semaphore, #tpu.memory_space<semaphore_mem>>)
      %dma_wait3A = arith.constant 0 : i32
      %dma_wait3A_32 = arith.constant 0 : i32
      %dma_wait3A_33 = tpu.memref_slice %arg3[%add3A, %dma_wait3A, %dma_wait3A_32] : memref<32x79x128xi32, #tpu.memory_space<hbm>> -> memref<1x79x128xi32, #tpu.memory_space<hbm>>
      %dma_wait3A_34 = tpu.memref_squeeze %dma_wait3A_33 : memref<1x79x128xi32, #tpu.memory_space<hbm>> -> memref<79x128xi32, #tpu.memory_space<hbm>>
      %dma_wait3A_35 = arith.constant 0 : i32
      %dma_wait3A_36 = arith.constant 0 : i32
      %dma_wait3A_37 = tpu.memref_slice %arg3[%add3A, %dma_wait3A_35, %dma_wait3A_36] : memref<32x79x128xi32, #tpu.memory_space<hbm>> -> memref<1x79x128xi32, #tpu.memory_space<hbm>>
      %dma_wait3A_38 = tpu.memref_squeeze %dma_wait3A_37 : memref<1x79x128xi32, #tpu.memory_space<hbm>> -> memref<79x128xi32, #tpu.memory_space<hbm>>
      tpu.wait_dma2 semaphore(%run_scoped3A : memref<!tpu.dma_semaphore, #tpu.memory_space<semaphore_mem>>) src(%dma_wait3A_38 : memref<79x128xi32, #tpu.memory_space<hbm>>) dst(%arg6 : memref<79x128xi32, #tpu.memory_space<vmem>>)
      tpu.yield
    }) : () -> ()
    "tpu.region"() ({
      %run_scoped3A = tpu.sem_alloc : memref<!tpu.dma_semaphore, #tpu.memory_space<semaphore_mem>>
      %dma_start3A = arith.constant 0 : i32
      %dma_start3A_25 = arith.constant 0 : i32
      %dma_start3A_26 = tpu.memref_slice %arg4[%add3A, %dma_start3A, %dma_start3A_25] : memref<32x79x128xi32, #tpu.memory_space<hbm>> -> memref<1x79x128xi32, #tpu.memory_space<hbm>>
      %dma_start3A_27 = tpu.memref_squeeze %dma_start3A_26 : memref<1x79x128xi32, #tpu.memory_space<hbm>> -> memref<79x128xi32, #tpu.memory_space<hbm>>
      %dma_start3A_28 = arith.constant 0 : i32
      %dma_start3A_29 = arith.constant 0 : i32
      %dma_start3A_30 = tpu.memref_slice %arg4[%add3A, %dma_start3A_28, %dma_start3A_29] : memref<32x79x128xi32, #tpu.memory_space<hbm>> -> memref<1x79x128xi32, #tpu.memory_space<hbm>>
      %dma_start3A_31 = tpu.memref_squeeze %dma_start3A_30 : memref<1x79x128xi32, #tpu.memory_space<hbm>> -> memref<79x128xi32, #tpu.memory_space<hbm>>
      tpu.enqueue_dma source(%dma_start3A_31 : memref<79x128xi32, #tpu.memory_space<hbm>>) target(%arg7 : memref<79x128xi32, #tpu.memory_space<vmem>>) target_semaphore(%run_scoped3A : memref<!tpu.dma_semaphore, #tpu.memory_space<semaphore_mem>>)
      %dma_wait3A = arith.constant 0 : i32
      %dma_wait3A_32 = arith.constant 0 : i32
      %dma_wait3A_33 = tpu.memref_slice %arg4[%add3A, %dma_wait3A, %dma_wait3A_32] : memref<32x79x128xi32, #tpu.memory_space<hbm>> -> memref<1x79x128xi32, #tpu.memory_space<hbm>>
      %dma_wait3A_34 = tpu.memref_squeeze %dma_wait3A_33 : memref<1x79x128xi32, #tpu.memory_space<hbm>> -> memref<79x128xi32, #tpu.memory_space<hbm>>
      %dma_wait3A_35 = arith.constant 0 : i32
      %dma_wait3A_36 = arith.constant 0 : i32
      %dma_wait3A_37 = tpu.memref_slice %arg4[%add3A, %dma_wait3A_35, %dma_wait3A_36] : memref<32x79x128xi32, #tpu.memory_space<hbm>> -> memref<1x79x128xi32, #tpu.memory_space<hbm>>
      %dma_wait3A_38 = tpu.memref_squeeze %dma_wait3A_37 : memref<1x79x128xi32, #tpu.memory_space<hbm>> -> memref<79x128xi32, #tpu.memory_space<hbm>>
      tpu.wait_dma2 semaphore(%run_scoped3A : memref<!tpu.dma_semaphore, #tpu.memory_space<semaphore_mem>>) src(%dma_wait3A_38 : memref<79x128xi32, #tpu.memory_space<hbm>>) dst(%arg7 : memref<79x128xi32, #tpu.memory_space<vmem>>)
      tpu.yield
    }) : () -> ()
    %scan3A = arith.constant 0 : i32
    %scan3A_1 = arith.constant 0 : i32
    %scan3A_2 = arith.constant 64 : i32
    %scan3A_3 = arith.addi %scan3A_1, %scan3A_2 : i32
    %scan3A_4 = arith.constant 1 : i32
    scf.for %scan3A_25 = %scan3A_1 to %scan3A_3 step %scan3A_4  : i32 {
      %broadcast_in_dim3A = arith.constant 0.000000e+00 : f32
      %broadcast_in_dim3A_26 = vector.broadcast %broadcast_in_dim3A : f32 to vector<16xf32>
      %swap3A = arith.index_cast %scan3A_25 : i32 to index
      %swap3A_27 = arith.constant 0 : index
      %swap3A_28 = tpu.vector_load %arg9[%swap3A, %swap3A_27] {strides = array<i32>} : memref<64x64xf32, #tpu.memory_space<vmem>>, vector<1x16xf32>,
      %swap3A_29 = vector.shape_cast %swap3A_28 : vector<1x16xf32> to vector<16xf32>
      %swap3A_30 = vector.shape_cast %broadcast_in_dim3A_26 : vector<16xf32> to vector<1x16xf32>
      tpu.vector_store %arg9[%swap3A, %swap3A_27], %swap3A_30 {strides = array<i32>} : memref<64x64xf32, #tpu.memory_space<vmem>>, vector<1x16xf32>,
      %broadcast_in_dim3A_31 = arith.constant 0.000000e+00 : f32
      %broadcast_in_dim3A_32 = vector.broadcast %broadcast_in_dim3A_31 : f32 to vector<16xf32>
      %swap3A_33 = arith.index_cast %scan3A_25 : i32 to index
      %swap3A_34 = arith.constant 16 : index
      %swap3A_35 = tpu.vector_load %arg9[%swap3A_33, %swap3A_34] {strides = array<i32>} : memref<64x64xf32, #tpu.memory_space<vmem>>, vector<1x16xf32>,
      %swap3A_36 = vector.shape_cast %swap3A_35 : vector<1x16xf32> to vector<16xf32>
      %swap3A_37 = vector.shape_cast %broadcast_in_dim3A_32 : vector<16xf32> to vector<1x16xf32>
      tpu.vector_store %arg9[%swap3A_33, %swap3A_34], %swap3A_37 {strides = array<i32>} : memref<64x64xf32, #tpu.memory_space<vmem>>, vector<1x16xf32>,
      %broadcast_in_dim3A_38 = arith.constant 0.000000e+00 : f32
      %broadcast_in_dim3A_39 = vector.broadcast %broadcast_in_dim3A_38 : f32 to vector<16xf32>
      %swap3A_40 = arith.index_cast %scan3A_25 : i32 to index
      %swap3A_41 = arith.constant 32 : index
      %swap3A_42 = tpu.vector_load %arg9[%swap3A_40, %swap3A_41] {strides = array<i32>} : memref<64x64xf32, #tpu.memory_space<vmem>>, vector<1x16xf32>,
      %swap3A_43 = vector.shape_cast %swap3A_42 : vector<1x16xf32> to vector<16xf32>
      %swap3A_44 = vector.shape_cast %broadcast_in_dim3A_39 : vector<16xf32> to vector<1x16xf32>
      tpu.vector_store %arg9[%swap3A_40, %swap3A_41], %swap3A_44 {strides = array<i32>} : memref<64x64xf32, #tpu.memory_space<vmem>>, vector<1x16xf32>,
      %broadcast_in_dim3A_45 = arith.constant 0.000000e+00 : f32
      %broadcast_in_dim3A_46 = vector.broadcast %broadcast_in_dim3A_45 : f32 to vector<16xf32>
      %swap3A_47 = arith.index_cast %scan3A_25 : i32 to index
      %swap3A_48 = arith.constant 48 : index
      %swap3A_49 = tpu.vector_load %arg9[%swap3A_47, %swap3A_48] {strides = array<i32>} : memref<64x64xf32, #tpu.memory_space<vmem>>, vector<1x16xf32>,
      %swap3A_50 = vector.shape_cast %swap3A_49 : vector<1x16xf32> to vector<16xf32>
      %swap3A_51 = vector.shape_cast %broadcast_in_dim3A_46 : vector<16xf32> to vector<1x16xf32>
      tpu.vector_store %arg9[%swap3A_47, %swap3A_48], %swap3A_51 {strides = array<i32>} : memref<64x64xf32, #tpu.memory_space<vmem>>, vector<1x16xf32>,
    }
    %scan3A_5 = arith.constant 64 : i32
    %scan3A_6 = arith.constant 0 : i32
    %scan3A_7 = arith.constant 0 : i32
    %scan3A_8 = arith.constant 10 : i32
    %scan3A_9 = arith.addi %scan3A_7, %scan3A_8 : i32
    %scan3A_10 = arith.constant 1 : i32
    scf.for %scan3A_25 = %scan3A_7 to %scan3A_9 step %scan3A_10  : i32 {
      %mul3A_26 = arith.constant 640 : i32
      %mul3A_27 = arith.muli %arg1, %mul3A_26 : i32
      %mul3A_28 = arith.constant 64 : i32
      %mul3A_29 = arith.muli %scan3A_25, %mul3A_28 : i32
      %add3A_30 = arith.addi %mul3A_27, %mul3A_29 : i32
      "tpu.region"() ({
        %run_scoped3A = tpu.sem_alloc : memref<!tpu.dma_semaphore, #tpu.memory_space<semaphore_mem>>
        %dma_start3A = arith.constant 0 : i32
        %dma_start3A_31 = tpu.memref_slice %arg10[%add3A_30, %dma_start3A] : memref<10240x64xf32, #tpu.memory_space<vmem_shared>> -> memref<64x64xf32, #tpu.memory_space<vmem_shared>>
        %dma_start3A_32 = arith.constant 0 : i32
        %dma_start3A_33 = tpu.memref_slice %arg10[%add3A_30, %dma_start3A_32] : memref<10240x64xf32, #tpu.memory_space<vmem_shared>> -> memref<64x64xf32, #tpu.memory_space<vmem_shared>>
        tpu.enqueue_dma source(%arg9 : memref<64x64xf32, #tpu.memory_space<vmem>>) target(%dma_start3A_33 : memref<64x64xf32, #tpu.memory_space<vmem_shared>>) target_semaphore(%run_scoped3A : memref<!tpu.dma_semaphore, #tpu.memory_space<semaphore_mem>>)
        %dma_wait3A = arith.constant 0 : i32
        %dma_wait3A_34 = tpu.memref_slice %arg10[%add3A_30, %dma_wait3A] : memref<10240x64xf32, #tpu.memory_space<vmem_shared>> -> memref<64x64xf32, #tpu.memory_space<vmem_shared>>
        %dma_wait3A_35 = arith.constant 0 : i32
        %dma_wait3A_36 = tpu.memref_slice %arg10[%add3A_30, %dma_wait3A_35] : memref<10240x64xf32, #tpu.memory_space<vmem_shared>> -> memref<64x64xf32, #tpu.memory_space<vmem_shared>>
        tpu.wait_dma2 semaphore(%run_scoped3A : memref<!tpu.dma_semaphore, #tpu.memory_space<semaphore_mem>>) src(%arg9 : memref<64x64xf32, #tpu.memory_space<vmem>>) dst(%dma_wait3A_36 : memref<64x64xf32, #tpu.memory_space<vmem_shared>>)
        tpu.yield
      }) : () -> ()
    }
    %scan3A_11 = arith.constant 10 : i32
    %barrier3A = arith.constant 0 : index
    tpu.barrier barrier_id(%barrier3A)
    %scan3A_12 = arith.constant 0 : i32
    %scan3A_13 = arith.constant 0 : i32
    %scan3A_14 = arith.constant 79 : i32
    %scan3A_15 = arith.addi %scan3A_13, %scan3A_14 : i32
    %scan3A_16 = arith.constant 1 : i32
    scf.for %scan3A_25 = %scan3A_13 to %scan3A_15 step %scan3A_16  : i32 {
      "tpu.region"() ({
        %run_scoped3A = tpu.sem_alloc : memref<!tpu.dma_semaphore, #tpu.memory_space<semaphore_mem>>
        %dma_start3A = arith.constant 0 : i32
        %dma_start3A_26 = tpu.memref_slice %arg6[%scan3A_25, %dma_start3A] : memref<79x128xi32, #tpu.memory_space<vmem>> -> memref<1x128xi32, #tpu.memory_space<vmem>>
        %dma_start3A_27 = tpu.memref_squeeze %dma_start3A_26 : memref<1x128xi32, #tpu.memory_space<vmem>> -> memref<128xi32, #tpu.memory_space<vmem>>
        %dma_start3A_28 = arith.constant 0 : i32
        %dma_start3A_29 = arith.constant 0 : i32
        %dma_start3A_30 = tpu.memref_slice %arg2[%dma_start3A_28, %dma_start3A_29] : memref<10240x64xf32, #tpu.memory_space<hbm>> -> memref<10240x64xf32, #tpu.memory_space<hbm>>
        tpu.enqueue_indirect_dma source(%dma_start3A_30 : memref<10240x64xf32, #tpu.memory_space<hbm>>) target(%arg8 : memref<128x64xf32, #tpu.memory_space<vmem>>) offsets(%dma_start3A_27 : memref<128xi32, #tpu.memory_space<vmem>>) semaphore(%run_scoped3A : memref<!tpu.dma_semaphore, #tpu.memory_space<semaphore_mem>>)
        %dma_wait3A = arith.constant 0 : i32
        %dma_wait3A_31 = tpu.memref_slice %arg6[%scan3A_25, %dma_wait3A] : memref<79x128xi32, #tpu.memory_space<vmem>> -> memref<1x128xi32, #tpu.memory_space<vmem>>
        %dma_wait3A_32 = tpu.memref_squeeze %dma_wait3A_31 : memref<1x128xi32, #tpu.memory_space<vmem>> -> memref<128xi32, #tpu.memory_space<vmem>>
        %dma_wait3A_33 = arith.constant 0 : i32
        %dma_wait3A_34 = arith.constant 0 : i32
        %dma_wait3A_35 = tpu.memref_slice %arg2[%dma_wait3A_33, %dma_wait3A_34] : memref<10240x64xf32, #tpu.memory_space<hbm>> -> memref<10240x64xf32, #tpu.memory_space<hbm>>
        tpu.wait_indirect_dma semaphore(%run_scoped3A : memref<!tpu.dma_semaphore, #tpu.memory_space<semaphore_mem>>) src(%dma_wait3A_35 : memref<10240x64xf32, #tpu.memory_space<hbm>>) dst(%arg8 : memref<128x64xf32, #tpu.memory_space<vmem>>)
        tpu.yield
      }) : () -> ()
      "tpu.region"() ({
        %run_scoped3A = tpu.sem_alloc : memref<!tpu.dma_semaphore, #tpu.memory_space<semaphore_mem>>
        %dma_start3A = arith.constant 0 : i32
        %dma_start3A_26 = tpu.memref_slice %arg7[%scan3A_25, %dma_start3A] : memref<79x128xi32, #tpu.memory_space<vmem>> -> memref<1x128xi32, #tpu.memory_space<vmem>>
        %dma_start3A_27 = tpu.memref_squeeze %dma_start3A_26 : memref<1x128xi32, #tpu.memory_space<vmem>> -> memref<128xi32, #tpu.memory_space<vmem>>
        %dma_start3A_28 = arith.constant 0 : i32
        %dma_start3A_29 = arith.constant 0 : i32
        %dma_start3A_30 = tpu.memref_slice %arg10[%dma_start3A_28, %dma_start3A_29] : memref<10240x64xf32, #tpu.memory_space<vmem_shared>> -> memref<10240x64xf32, #tpu.memory_space<vmem_shared>>
        tpu.enqueue_indirect_dma source(%arg8 : memref<128x64xf32, #tpu.memory_space<vmem>>) target(%dma_start3A_30 : memref<10240x64xf32, #tpu.memory_space<vmem_shared>>) offsets(%dma_start3A_27 : memref<128xi32, #tpu.memory_space<vmem>>) semaphore(%run_scoped3A : memref<!tpu.dma_semaphore, #tpu.memory_space<semaphore_mem>>) {add = true}
        %dma_wait3A = arith.constant 0 : i32
        %dma_wait3A_31 = tpu.memref_slice %arg7[%scan3A_25, %dma_wait3A] : memref<79x128xi32, #tpu.memory_space<vmem>> -> memref<1x128xi32, #tpu.memory_space<vmem>>
        %dma_wait3A_32 = tpu.memref_squeeze %dma_wait3A_31 : memref<1x128xi32, #tpu.memory_space<vmem>> -> memref<128xi32, #tpu.memory_space<vmem>>
        %dma_wait3A_33 = arith.constant 0 : i32
        %dma_wait3A_34 = arith.constant 0 : i32
        %dma_wait3A_35 = tpu.memref_slice %arg10[%dma_wait3A_33, %dma_wait3A_34] : memref<10240x64xf32, #tpu.memory_space<vmem_shared>> -> memref<10240x64xf32, #tpu.memory_space<vmem_shared>>
        tpu.wait_indirect_dma semaphore(%run_scoped3A : memref<!tpu.dma_semaphore, #tpu.memory_space<semaphore_mem>>) src(%arg8 : memref<128x64xf32, #tpu.memory_space<vmem>>) dst(%dma_wait3A_35 : memref<10240x64xf32, #tpu.memory_space<vmem_shared>>)
        tpu.yield
      }) : () -> ()
    }
    %scan3A_17 = arith.constant 79 : i32
    %barrier3A_18 = arith.constant 0 : index
    tpu.barrier barrier_id(%barrier3A_18)
    %scan3A_19 = arith.constant 0 : i32
    %scan3A_20 = arith.constant 0 : i32
    %scan3A_21 = arith.constant 5 : i32
    %scan3A_22 = arith.addi %scan3A_20, %scan3A_21 : i32
    %scan3A_23 = arith.constant 1 : i32
    scf.for %scan3A_25 = %scan3A_20 to %scan3A_22 step %scan3A_23  : i32 {
      %mul3A_26 = arith.constant 640 : i32
      %mul3A_27 = arith.muli %arg1, %mul3A_26 : i32
      %mul3A_28 = arith.constant 128 : i32
      %mul3A_29 = arith.muli %scan3A_25, %mul3A_28 : i32
      %add3A_30 = arith.addi %mul3A_27, %mul3A_29 : i32
      "tpu.region"() ({
        %run_scoped3A = tpu.sem_alloc : memref<!tpu.dma_semaphore, #tpu.memory_space<semaphore_mem>>
        %dma_start3A = arith.constant 0 : i32
        %dma_start3A_31 = tpu.memref_slice %arg10[%add3A_30, %dma_start3A] : memref<10240x64xf32, #tpu.memory_space<vmem_shared>> -> memref<128x64xf32, #tpu.memory_space<vmem_shared>>
        %dma_start3A_32 = arith.constant 0 : i32
        %dma_start3A_33 = tpu.memref_slice %arg10[%add3A_30, %dma_start3A_32] : memref<10240x64xf32, #tpu.memory_space<vmem_shared>> -> memref<128x64xf32, #tpu.memory_space<vmem_shared>>
        tpu.enqueue_dma source(%dma_start3A_33 : memref<128x64xf32, #tpu.memory_space<vmem_shared>>) target(%arg8 : memref<128x64xf32, #tpu.memory_space<vmem>>) target_semaphore(%run_scoped3A : memref<!tpu.dma_semaphore, #tpu.memory_space<semaphore_mem>>)
        %dma_wait3A = arith.constant 0 : i32
        %dma_wait3A_34 = tpu.memref_slice %arg10[%add3A_30, %dma_wait3A] : memref<10240x64xf32, #tpu.memory_space<vmem_shared>> -> memref<128x64xf32, #tpu.memory_space<vmem_shared>>
        %dma_wait3A_35 = arith.constant 0 : i32
        %dma_wait3A_36 = tpu.memref_slice %arg10[%add3A_30, %dma_wait3A_35] : memref<10240x64xf32, #tpu.memory_space<vmem_shared>> -> memref<128x64xf32, #tpu.memory_space<vmem_shared>>
        tpu.wait_dma2 semaphore(%run_scoped3A : memref<!tpu.dma_semaphore, #tpu.memory_space<semaphore_mem>>) src(%dma_wait3A_36 : memref<128x64xf32, #tpu.memory_space<vmem_shared>>) dst(%arg8 : memref<128x64xf32, #tpu.memory_space<vmem>>)
        tpu.yield
      }) : () -> ()
      "tpu.region"() ({
        %run_scoped3A = tpu.sem_alloc : memref<!tpu.dma_semaphore, #tpu.memory_space<semaphore_mem>>
        %dma_start3A = arith.constant 0 : i32
        %dma_start3A_31 = tpu.memref_slice %arg5[%arg0, %add3A_30, %dma_start3A] : memref<2x10240x64xf32, #tpu.memory_space<hbm>> -> memref<1x128x64xf32, #tpu.memory_space<hbm>>
        %dma_start3A_32 = tpu.memref_squeeze %dma_start3A_31 : memref<1x128x64xf32, #tpu.memory_space<hbm>> -> memref<128x64xf32, #tpu.memory_space<hbm>>
        %dma_start3A_33 = arith.constant 0 : i32
        %dma_start3A_34 = tpu.memref_slice %arg5[%arg0, %add3A_30, %dma_start3A_33] : memref<2x10240x64xf32, #tpu.memory_space<hbm>> -> memref<1x128x64xf32, #tpu.memory_space<hbm>>
        %dma_start3A_35 = tpu.memref_squeeze %dma_start3A_34 : memref<1x128x64xf32, #tpu.memory_space<hbm>> -> memref<128x64xf32, #tpu.memory_space<hbm>>
        tpu.enqueue_dma source(%arg8 : memref<128x64xf32, #tpu.memory_space<vmem>>) target(%dma_start3A_35 : memref<128x64xf32, #tpu.memory_space<hbm>>) target_semaphore(%run_scoped3A : memref<!tpu.dma_semaphore, #tpu.memory_space<semaphore_mem>>)
        %dma_wait3A = arith.constant 0 : i32
        %dma_wait3A_36 = tpu.memref_slice %arg5[%arg0, %add3A_30, %dma_wait3A] : memref<2x10240x64xf32, #tpu.memory_space<hbm>> -> memref<1x128x64xf32, #tpu.memory_space<hbm>>
        %dma_wait3A_37 = tpu.memref_squeeze %dma_wait3A_36 : memref<1x128x64xf32, #tpu.memory_space<hbm>> -> memref<128x64xf32, #tpu.memory_space<hbm>>
        %dma_wait3A_38 = arith.constant 0 : i32
        %dma_wait3A_39 = tpu.memref_slice %arg5[%arg0, %add3A_30, %dma_wait3A_38] : memref<2x10240x64xf32, #tpu.memory_space<hbm>> -> memref<1x128x64xf32, #tpu.memory_space<hbm>>
        %dma_wait3A_40 = tpu.memref_squeeze %dma_wait3A_39 : memref<1x128x64xf32, #tpu.memory_space<hbm>> -> memref<128x64xf32, #tpu.memory_space<hbm>>
        tpu.wait_dma2 semaphore(%run_scoped3A : memref<!tpu.dma_semaphore, #tpu.memory_space<semaphore_mem>>) src(%arg8 : memref<128x64xf32, #tpu.memory_space<vmem>>) dst(%dma_wait3A_40 : memref<128x64xf32, #tpu.memory_space<hbm>>)
        tpu.yield
      }) : () -> ()
    }
    %scan3A_24 = arith.constant 5 : i32
    return
  }
}

#map = affine_map<(d0, d1) -> (0, 0)>
#map1 = affine_map<(d0, d1) -> (0, 0, 0)>
module attributes {stable_mosaic.version = 14 : i64} {
  func.func @k(%arg0: i32, %arg1: i32, %arg2: memref<10240x64xf32, #tpu.memory_space<hbm>>, %arg3: memref<32x79x128xi32, #tpu.memory_space<hbm>>, %arg4: memref<32x79x128xi32, #tpu.memory_space<hbm>>, %arg5: memref<2x10240x64xf32, #tpu.memory_space<hbm>>, %arg6: memref<79x128xi32, #tpu.memory_space<vmem>>, %arg7: memref<79x128xi32, #tpu.memory_space<vmem>>, %arg8: memref<128x64xf32, #tpu.memory_space<vmem>>, %arg9: memref<64x64xf32, #tpu.memory_space<vmem>>, %arg10: memref<10240x64xf32, #tpu.memory_space<vmem_shared>>) attributes {dimension_semantics = [#tpu.dimension_semantics<core_parallel>, #tpu.dimension_semantics<subcore_parallel>], iteration_bounds = array<i64: 2, 16>, scalar_prefetch = 0 : i64, scratch_operands = 5 : i64, tpu.core_type = #tpu.core_type<sc_vector_subcore>, window_params = [{transform_indices = #map}, {transform_indices = #map1}, {transform_indices = #map1}, {transform_indices = #map1}]} {
    %mul3A = arith.constant 2 : i32
    %mul3A_0 = arith.muli %arg1, %mul3A : i32
    %add3A = arith.addi %mul3A_0, %arg0 : i32
    "tpu.region"() ({
      %run_scoped3A = tpu.sem_alloc : memref<!tpu.dma_semaphore, #tpu.memory_space<semaphore_mem>>
      %dma_start3A = arith.constant 0 : i32
      %dma_start3A_25 = arith.constant 0 : i32
      %dma_start3A_26 = tpu.memref_slice %arg3[%add3A, %dma_start3A, %dma_start3A_25] : memref<32x79x128xi32, #tpu.memory_space<hbm>> -> memref<1x79x128xi32, #tpu.memory_space<hbm>>
      %dma_start3A_27 = tpu.memref_squeeze %dma_start3A_26 : memref<1x79x128xi32, #tpu.memory_space<hbm>> -> memref<79x128xi32, #tpu.memory_space<hbm>>
      %dma_start3A_28 = arith.constant 0 : i32
      %dma_start3A_29 = arith.constant 0 : i32
      %dma_start3A_30 = tpu.memref_slice %arg3[%add3A, %dma_start3A_28, %dma_start3A_29] : memref<32x79x128xi32, #tpu.memory_space<hbm>> -> memref<1x79x128xi32, #tpu.memory_space<hbm>>
      %dma_start3A_31 = tpu.memref_squeeze %dma_start3A_30 : memref<1x79x128xi32, #tpu.memory_space<hbm>> -> memref<79x128xi32, #tpu.memory_space<hbm>>
      tpu.enqueue_dma source(%dma_start3A_31 : memref<79x128xi32, #tpu.memory_space<hbm>>) target(%arg6 : memref<79x128xi32, #tpu.memory_space<vmem>>) target_semaphore(%run_scoped3A : memref<!tpu.dma_semaphore, #tpu.memory_space<semaphore_mem>>)
      %dma_wait3A = arith.constant 0 : i32
      %dma_wait3A_32 = arith.constant 0 : i32
      %dma_wait3A_33 = tpu.memref_slice %arg3[%add3A, %dma_wait3A, %dma_wait3A_32] : memref<32x79x128xi32, #tpu.memory_space<hbm>> -> memref<1x79x128xi32, #tpu.memory_space<hbm>>
      %dma_wait3A_34 = tpu.memref_squeeze %dma_wait3A_33 : memref<1x79x128xi32, #tpu.memory_space<hbm>> -> memref<79x128xi32, #tpu.memory_space<hbm>>
      %dma_wait3A_35 = arith.constant 0 : i32
      %dma_wait3A_36 = arith.constant 0 : i32
      %dma_wait3A_37 = tpu.memref_slice %arg3[%add3A, %dma_wait3A_35, %dma_wait3A_36] : memref<32x79x128xi32, #tpu.memory_space<hbm>> -> memref<1x79x128xi32, #tpu.memory_space<hbm>>
      %dma_wait3A_38 = tpu.memref_squeeze %dma_wait3A_37 : memref<1x79x128xi32, #tpu.memory_space<hbm>> -> memref<79x128xi32, #tpu.memory_space<hbm>>
      tpu.wait_dma2 semaphore(%run_scoped3A : memref<!tpu.dma_semaphore, #tpu.memory_space<semaphore_mem>>) src(%dma_wait3A_38 : memref<79x128xi32, #tpu.memory_space<hbm>>) dst(%arg6 : memref<79x128xi32, #tpu.memory_space<vmem>>)
      tpu.yield
    }) : () -> ()
    "tpu.region"() ({
      %run_scoped3A = tpu.sem_alloc : memref<!tpu.dma_semaphore, #tpu.memory_space<semaphore_mem>>
      %dma_start3A = arith.constant 0 : i32
      %dma_start3A_25 = arith.constant 0 : i32
      %dma_start3A_26 = tpu.memref_slice %arg4[%add3A, %dma_start3A, %dma_start3A_25] : memref<32x79x128xi32, #tpu.memory_space<hbm>> -> memref<1x79x128xi32, #tpu.memory_space<hbm>>
      %dma_start3A_27 = tpu.memref_squeeze %dma_start3A_26 : memref<1x79x128xi32, #tpu.memory_space<hbm>> -> memref<79x128xi32, #tpu.memory_space<hbm>>
      %dma_start3A_28 = arith.constant 0 : i32
      %dma_start3A_29 = arith.constant 0 : i32
      %dma_start3A_30 = tpu.memref_slice %arg4[%add3A, %dma_start3A_28, %dma_start3A_29] : memref<32x79x128xi32, #tpu.memory_space<hbm>> -> memref<1x79x128xi32, #tpu.memory_space<hbm>>
      %dma_start3A_31 = tpu.memref_squeeze %dma_start3A_30 : memref<1x79x128xi32, #tpu.memory_space<hbm>> -> memref<79x128xi32, #tpu.memory_space<hbm>>
      tpu.enqueue_dma source(%dma_start3A_31 : memref<79x128xi32, #tpu.memory_space<hbm>>) target(%arg7 : memref<79x128xi32, #tpu.memory_space<vmem>>) target_semaphore(%run_scoped3A : memref<!tpu.dma_semaphore, #tpu.memory_space<semaphore_mem>>)
      %dma_wait3A = arith.constant 0 : i32
      %dma_wait3A_32 = arith.constant 0 : i32
      %dma_wait3A_33 = tpu.memref_slice %arg4[%add3A, %dma_wait3A, %dma_wait3A_32] : memref<32x79x128xi32, #tpu.memory_space<hbm>> -> memref<1x79x128xi32, #tpu.memory_space<hbm>>
      %dma_wait3A_34 = tpu.memref_squeeze %dma_wait3A_33 : memref<1x79x128xi32, #tpu.memory_space<hbm>> -> memref<79x128xi32, #tpu.memory_space<hbm>>
      %dma_wait3A_35 = arith.constant 0 : i32
      %dma_wait3A_36 = arith.constant 0 : i32
      %dma_wait3A_37 = tpu.memref_slice %arg4[%add3A, %dma_wait3A_35, %dma_wait3A_36] : memref<32x79x128xi32, #tpu.memory_space<hbm>> -> memref<1x79x128xi32, #tpu.memory_space<hbm>>
      %dma_wait3A_38 = tpu.memref_squeeze %dma_wait3A_37 : memref<1x79x128xi32, #tpu.memory_space<hbm>> -> memref<79x128xi32, #tpu.memory_space<hbm>>
      tpu.wait_dma2 semaphore(%run_scoped3A : memref<!tpu.dma_semaphore, #tpu.memory_space<semaphore_mem>>) src(%dma_wait3A_38 : memref<79x128xi32, #tpu.memory_space<hbm>>) dst(%arg7 : memref<79x128xi32, #tpu.memory_space<vmem>>)
      tpu.yield
    }) : () -> ()
    %scan3A = arith.constant 0 : i32
    %scan3A_1 = arith.constant 0 : i32
    %scan3A_2 = arith.constant 64 : i32
    %scan3A_3 = arith.addi %scan3A_1, %scan3A_2 : i32
    %scan3A_4 = arith.constant 1 : i32
    scf.for %scan3A_25 = %scan3A_1 to %scan3A_3 step %scan3A_4  : i32 {
      %broadcast_in_dim3A = arith.constant 0.000000e+00 : f32
      %broadcast_in_dim3A_26 = vector.broadcast %broadcast_in_dim3A : f32 to vector<16xf32>
      %swap3A = arith.index_cast %scan3A_25 : i32 to index
      %swap3A_27 = arith.constant 0 : index
      %swap3A_28 = tpu.vector_load %arg9[%swap3A, %swap3A_27] {strides = array<i32>} : memref<64x64xf32, #tpu.memory_space<vmem>>, vector<1x16xf32>,
      %swap3A_29 = vector.shape_cast %swap3A_28 : vector<1x16xf32> to vector<16xf32>
      %swap3A_30 = vector.shape_cast %broadcast_in_dim3A_26 : vector<16xf32> to vector<1x16xf32>
      tpu.vector_store %arg9[%swap3A, %swap3A_27], %swap3A_30 {strides = array<i32>} : memref<64x64xf32, #tpu.memory_space<vmem>>, vector<1x16xf32>,
      %broadcast_in_dim3A_31 = arith.constant 0.000000e+00 : f32
      %broadcast_in_dim3A_32 = vector.broadcast %broadcast_in_dim3A_31 : f32 to vector<16xf32>
      %swap3A_33 = arith.index_cast %scan3A_25 : i32 to index
      %swap3A_34 = arith.constant 16 : index
      %swap3A_35 = tpu.vector_load %arg9[%swap3A_33, %swap3A_34] {strides = array<i32>} : memref<64x64xf32, #tpu.memory_space<vmem>>, vector<1x16xf32>,
      %swap3A_36 = vector.shape_cast %swap3A_35 : vector<1x16xf32> to vector<16xf32>
      %swap3A_37 = vector.shape_cast %broadcast_in_dim3A_32 : vector<16xf32> to vector<1x16xf32>
      tpu.vector_store %arg9[%swap3A_33, %swap3A_34], %swap3A_37 {strides = array<i32>} : memref<64x64xf32, #tpu.memory_space<vmem>>, vector<1x16xf32>,
      %broadcast_in_dim3A_38 = arith.constant 0.000000e+00 : f32
      %broadcast_in_dim3A_39 = vector.broadcast %broadcast_in_dim3A_38 : f32 to vector<16xf32>
      %swap3A_40 = arith.index_cast %scan3A_25 : i32 to index
      %swap3A_41 = arith.constant 32 : index
      %swap3A_42 = tpu.vector_load %arg9[%swap3A_40, %swap3A_41] {strides = array<i32>} : memref<64x64xf32, #tpu.memory_space<vmem>>, vector<1x16xf32>,
      %swap3A_43 = vector.shape_cast %swap3A_42 : vector<1x16xf32> to vector<16xf32>
      %swap3A_44 = vector.shape_cast %broadcast_in_dim3A_39 : vector<16xf32> to vector<1x16xf32>
      tpu.vector_store %arg9[%swap3A_40, %swap3A_41], %swap3A_44 {strides = array<i32>} : memref<64x64xf32, #tpu.memory_space<vmem>>, vector<1x16xf32>,
      %broadcast_in_dim3A_45 = arith.constant 0.000000e+00 : f32
      %broadcast_in_dim3A_46 = vector.broadcast %broadcast_in_dim3A_45 : f32 to vector<16xf32>
      %swap3A_47 = arith.index_cast %scan3A_25 : i32 to index
      %swap3A_48 = arith.constant 48 : index
      %swap3A_49 = tpu.vector_load %arg9[%swap3A_47, %swap3A_48] {strides = array<i32>} : memref<64x64xf32, #tpu.memory_space<vmem>>, vector<1x16xf32>,
      %swap3A_50 = vector.shape_cast %swap3A_49 : vector<1x16xf32> to vector<16xf32>
      %swap3A_51 = vector.shape_cast %broadcast_in_dim3A_46 : vector<16xf32> to vector<1x16xf32>
      tpu.vector_store %arg9[%swap3A_47, %swap3A_48], %swap3A_51 {strides = array<i32>} : memref<64x64xf32, #tpu.memory_space<vmem>>, vector<1x16xf32>,
    }
    %scan3A_5 = arith.constant 64 : i32
    %scan3A_6 = arith.constant 0 : i32
    %scan3A_7 = arith.constant 0 : i32
    %scan3A_8 = arith.constant 10 : i32
    %scan3A_9 = arith.addi %scan3A_7, %scan3A_8 : i32
    %scan3A_10 = arith.constant 1 : i32
    scf.for %scan3A_25 = %scan3A_7 to %scan3A_9 step %scan3A_10  : i32 {
      %mul3A_26 = arith.constant 640 : i32
      %mul3A_27 = arith.muli %arg1, %mul3A_26 : i32
      %mul3A_28 = arith.constant 64 : i32
      %mul3A_29 = arith.muli %scan3A_25, %mul3A_28 : i32
      %add3A_30 = arith.addi %mul3A_27, %mul3A_29 : i32
      "tpu.region"() ({
        %run_scoped3A = tpu.sem_alloc : memref<!tpu.dma_semaphore, #tpu.memory_space<semaphore_mem>>
        %dma_start3A = arith.constant 0 : i32
        %dma_start3A_31 = tpu.memref_slice %arg10[%add3A_30, %dma_start3A] : memref<10240x64xf32, #tpu.memory_space<vmem_shared>> -> memref<64x64xf32, #tpu.memory_space<vmem_shared>>
        %dma_start3A_32 = arith.constant 0 : i32
        %dma_start3A_33 = tpu.memref_slice %arg10[%add3A_30, %dma_start3A_32] : memref<10240x64xf32, #tpu.memory_space<vmem_shared>> -> memref<64x64xf32, #tpu.memory_space<vmem_shared>>
        tpu.enqueue_dma source(%arg9 : memref<64x64xf32, #tpu.memory_space<vmem>>) target(%dma_start3A_33 : memref<64x64xf32, #tpu.memory_space<vmem_shared>>) target_semaphore(%run_scoped3A : memref<!tpu.dma_semaphore, #tpu.memory_space<semaphore_mem>>)
        %dma_wait3A = arith.constant 0 : i32
        %dma_wait3A_34 = tpu.memref_slice %arg10[%add3A_30, %dma_wait3A] : memref<10240x64xf32, #tpu.memory_space<vmem_shared>> -> memref<64x64xf32, #tpu.memory_space<vmem_shared>>
        %dma_wait3A_35 = arith.constant 0 : i32
        %dma_wait3A_36 = tpu.memref_slice %arg10[%add3A_30, %dma_wait3A_35] : memref<10240x64xf32, #tpu.memory_space<vmem_shared>> -> memref<64x64xf32, #tpu.memory_space<vmem_shared>>
        tpu.wait_dma2 semaphore(%run_scoped3A : memref<!tpu.dma_semaphore, #tpu.memory_space<semaphore_mem>>) src(%arg9 : memref<64x64xf32, #tpu.memory_space<vmem>>) dst(%dma_wait3A_36 : memref<64x64xf32, #tpu.memory_space<vmem_shared>>)
        tpu.yield
      }) : () -> ()
    }
    %scan3A_11 = arith.constant 10 : i32
    %barrier3A = arith.constant 0 : index
    tpu.barrier barrier_id(%barrier3A)
    %scan3A_12 = arith.constant 0 : i32
    %scan3A_13 = arith.constant 0 : i32
    %scan3A_14 = arith.constant 79 : i32
    %scan3A_15 = arith.addi %scan3A_13, %scan3A_14 : i32
    %scan3A_16 = arith.constant 1 : i32
    scf.for %scan3A_25 = %scan3A_13 to %scan3A_15 step %scan3A_16  : i32 {
      "tpu.region"() ({
        %run_scoped3A = tpu.sem_alloc : memref<!tpu.dma_semaphore, #tpu.memory_space<semaphore_mem>>
        %dma_start3A = arith.constant 0 : i32
        %dma_start3A_26 = tpu.memref_slice %arg6[%scan3A_25, %dma_start3A] : memref<79x128xi32, #tpu.memory_space<vmem>> -> memref<1x128xi32, #tpu.memory_space<vmem>>
        %dma_start3A_27 = tpu.memref_squeeze %dma_start3A_26 : memref<1x128xi32, #tpu.memory_space<vmem>> -> memref<128xi32, #tpu.memory_space<vmem>>
        %dma_start3A_28 = arith.constant 0 : i32
        %dma_start3A_29 = arith.constant 0 : i32
        %dma_start3A_30 = tpu.memref_slice %arg2[%dma_start3A_28, %dma_start3A_29] : memref<10240x64xf32, #tpu.memory_space<hbm>> -> memref<10240x64xf32, #tpu.memory_space<hbm>>
        tpu.enqueue_indirect_dma source(%dma_start3A_30 : memref<10240x64xf32, #tpu.memory_space<hbm>>) target(%arg8 : memref<128x64xf32, #tpu.memory_space<vmem>>) offsets(%dma_start3A_27 : memref<128xi32, #tpu.memory_space<vmem>>) semaphore(%run_scoped3A : memref<!tpu.dma_semaphore, #tpu.memory_space<semaphore_mem>>)
        %dma_wait3A = arith.constant 0 : i32
        %dma_wait3A_31 = tpu.memref_slice %arg6[%scan3A_25, %dma_wait3A] : memref<79x128xi32, #tpu.memory_space<vmem>> -> memref<1x128xi32, #tpu.memory_space<vmem>>
        %dma_wait3A_32 = tpu.memref_squeeze %dma_wait3A_31 : memref<1x128xi32, #tpu.memory_space<vmem>> -> memref<128xi32, #tpu.memory_space<vmem>>
        %dma_wait3A_33 = arith.constant 0 : i32
        %dma_wait3A_34 = arith.constant 0 : i32
        %dma_wait3A_35 = tpu.memref_slice %arg2[%dma_wait3A_33, %dma_wait3A_34] : memref<10240x64xf32, #tpu.memory_space<hbm>> -> memref<10240x64xf32, #tpu.memory_space<hbm>>
        tpu.wait_indirect_dma semaphore(%run_scoped3A : memref<!tpu.dma_semaphore, #tpu.memory_space<semaphore_mem>>) src(%dma_wait3A_35 : memref<10240x64xf32, #tpu.memory_space<hbm>>) dst(%arg8 : memref<128x64xf32, #tpu.memory_space<vmem>>)
        tpu.yield
      }) : () -> ()
      "tpu.region"() ({
        %run_scoped3A = tpu.sem_alloc : memref<!tpu.dma_semaphore, #tpu.memory_space<semaphore_mem>>
        %dma_start3A = arith.constant 0 : i32
        %dma_start3A_26 = tpu.memref_slice %arg7[%scan3A_25, %dma_start3A] : memref<79x128xi32, #tpu.memory_space<vmem>> -> memref<1x128xi32, #tpu.memory_space<vmem>>
        %dma_start3A_27 = tpu.memref_squeeze %dma_start3A_26 : memref<1x128xi32, #tpu.memory_space<vmem>> -> memref<128xi32, #tpu.memory_space<vmem>>
        %dma_start3A_28 = arith.constant 0 : i32
        %dma_start3A_29 = arith.constant 0 : i32
        %dma_start3A_30 = tpu.memref_slice %arg10[%dma_start3A_28, %dma_start3A_29] : memref<10240x64xf32, #tpu.memory_space<vmem_shared>> -> memref<10240x64xf32, #tpu.memory_space<vmem_shared>>
        tpu.enqueue_indirect_dma source(%arg8 : memref<128x64xf32, #tpu.memory_space<vmem>>) target(%dma_start3A_30 : memref<10240x64xf32, #tpu.memory_space<vmem_shared>>) offsets(%dma_start3A_27 : memref<128xi32, #tpu.memory_space<vmem>>) semaphore(%run_scoped3A : memref<!tpu.dma_semaphore, #tpu.memory_space<semaphore_mem>>) {add = true}
        %dma_wait3A = arith.constant 0 : i32
        %dma_wait3A_31 = tpu.memref_slice %arg7[%scan3A_25, %dma_wait3A] : memref<79x128xi32, #tpu.memory_space<vmem>> -> memref<1x128xi32, #tpu.memory_space<vmem>>
        %dma_wait3A_32 = tpu.memref_squeeze %dma_wait3A_31 : memref<1x128xi32, #tpu.memory_space<vmem>> -> memref<128xi32, #tpu.memory_space<vmem>>
        %dma_wait3A_33 = arith.constant 0 : i32
        %dma_wait3A_34 = arith.constant 0 : i32
        %dma_wait3A_35 = tpu.memref_slice %arg10[%dma_wait3A_33, %dma_wait3A_34] : memref<10240x64xf32, #tpu.memory_space<vmem_shared>> -> memref<10240x64xf32, #tpu.memory_space<vmem_shared>>
        tpu.wait_indirect_dma semaphore(%run_scoped3A : memref<!tpu.dma_semaphore, #tpu.memory_space<semaphore_mem>>) src(%arg8 : memref<128x64xf32, #tpu.memory_space<vmem>>) dst(%dma_wait3A_35 : memref<10240x64xf32, #tpu.memory_space<vmem_shared>>)
        tpu.yield
      }) : () -> ()
    }
    %scan3A_17 = arith.constant 79 : i32
    %barrier3A_18 = arith.constant 0 : index
    tpu.barrier barrier_id(%barrier3A_18)
    %scan3A_19 = arith.constant 0 : i32
    %scan3A_20 = arith.constant 0 : i32
    %scan3A_21 = arith.constant 5 : i32
    %scan3A_22 = arith.addi %scan3A_20, %scan3A_21 : i32
    %scan3A_23 = arith.constant 1 : i32
    scf.for %scan3A_25 = %scan3A_20 to %scan3A_22 step %scan3A_23  : i32 {
      %mul3A_26 = arith.constant 640 : i32
      %mul3A_27 = arith.muli %arg1, %mul3A_26 : i32
      %mul3A_28 = arith.constant 128 : i32
      %mul3A_29 = arith.muli %scan3A_25, %mul3A_28 : i32
      %add3A_30 = arith.addi %mul3A_27, %mul3A_29 : i32
      "tpu.region"() ({
        %run_scoped3A = tpu.sem_alloc : memref<!tpu.dma_semaphore, #tpu.memory_space<semaphore_mem>>
        %dma_start3A = arith.constant 0 : i32
        %dma_start3A_31 = tpu.memref_slice %arg10[%add3A_30, %dma_start3A] : memref<10240x64xf32, #tpu.memory_space<vmem_shared>> -> memref<128x64xf32, #tpu.memory_space<vmem_shared>>
        %dma_start3A_32 = arith.constant 0 : i32
        %dma_start3A_33 = tpu.memref_slice %arg10[%add3A_30, %dma_start3A_32] : memref<10240x64xf32, #tpu.memory_space<vmem_shared>> -> memref<128x64xf32, #tpu.memory_space<vmem_shared>>
        tpu.enqueue_dma source(%dma_start3A_33 : memref<128x64xf32, #tpu.memory_space<vmem_shared>>) target(%arg8 : memref<128x64xf32, #tpu.memory_space<vmem>>) target_semaphore(%run_scoped3A : memref<!tpu.dma_semaphore, #tpu.memory_space<semaphore_mem>>)
        %dma_wait3A = arith.constant 0 : i32
        %dma_wait3A_34 = tpu.memref_slice %arg10[%add3A_30, %dma_wait3A] : memref<10240x64xf32, #tpu.memory_space<vmem_shared>> -> memref<128x64xf32, #tpu.memory_space<vmem_shared>>
        %dma_wait3A_35 = arith.constant 0 : i32
        %dma_wait3A_36 = tpu.memref_slice %arg10[%add3A_30, %dma_wait3A_35] : memref<10240x64xf32, #tpu.memory_space<vmem_shared>> -> memref<128x64xf32, #tpu.memory_space<vmem_shared>>
        tpu.wait_dma2 semaphore(%run_scoped3A : memref<!tpu.dma_semaphore, #tpu.memory_space<semaphore_mem>>) src(%dma_wait3A_36 : memref<128x64xf32, #tpu.memory_space<vmem_shared>>) dst(%arg8 : memref<128x64xf32, #tpu.memory_space<vmem>>)
        tpu.yield
      }) : () -> ()
      "tpu.region"() ({
        %run_scoped3A = tpu.sem_alloc : memref<!tpu.dma_semaphore, #tpu.memory_space<semaphore_mem>>
        %dma_start3A = arith.constant 0 : i32
        %dma_start3A_31 = tpu.memref_slice %arg5[%arg0, %add3A_30, %dma_start3A] : memref<2x10240x64xf32, #tpu.memory_space<hbm>> -> memref<1x128x64xf32, #tpu.memory_space<hbm>>
        %dma_start3A_32 = tpu.memref_squeeze %dma_start3A_31 : memref<1x128x64xf32, #tpu.memory_space<hbm>> -> memref<128x64xf32, #tpu.memory_space<hbm>>
        %dma_start3A_33 = arith.constant 0 : i32
        %dma_start3A_34 = tpu.memref_slice %arg5[%arg0, %add3A_30, %dma_start3A_33] : memref<2x10240x64xf32, #tpu.memory_space<hbm>> -> memref<1x128x64xf32, #tpu.memory_space<hbm>>
        %dma_start3A_35 = tpu.memref_squeeze %dma_start3A_34 : memref<1x128x64xf32, #tpu.memory_space<hbm>> -> memref<128x64xf32, #tpu.memory_space<hbm>>
        tpu.enqueue_dma source(%arg8 : memref<128x64xf32, #tpu.memory_space<vmem>>) target(%dma_start3A_35 : memref<128x64xf32, #tpu.memory_space<hbm>>) target_semaphore(%run_scoped3A : memref<!tpu.dma_semaphore, #tpu.memory_space<semaphore_mem>>)
        %dma_wait3A = arith.constant 0 : i32
        %dma_wait3A_36 = tpu.memref_slice %arg5[%arg0, %add3A_30, %dma_wait3A] : memref<2x10240x64xf32, #tpu.memory_space<hbm>> -> memref<1x128x64xf32, #tpu.memory_space<hbm>>
        %dma_wait3A_37 = tpu.memref_squeeze %dma_wait3A_36 : memref<1x128x64xf32, #tpu.memory_space<hbm>> -> memref<128x64xf32, #tpu.memory_space<hbm>>
        %dma_wait3A_38 = arith.constant 0 : i32
        %dma_wait3A_39 = tpu.memref_slice %arg5[%arg0, %add3A_30, %dma_wait3A_38] : memref<2x10240x64xf32, #tpu.memory_space<hbm>> -> memref<1x128x64xf32, #tpu.memory_space<hbm>>
        %dma_wait3A_40 = tpu.memref_squeeze %dma_wait3A_39 : memref<1x128x64xf32, #tpu.memory_space<hbm>> -> memref<128x64xf32, #tpu.memory_space<hbm>>
        tpu.wait_dma2 semaphore(%run_scoped3A : memref<!tpu.dma_semaphore, #tpu.memory_space<semaphore_mem>>) src(%arg8 : memref<128x64xf32, #tpu.memory_space<vmem>>) dst(%dma_wait3A_40 : memref<128x64xf32, #tpu.memory_space<hbm>>)
        tpu.yield
      }) : () -> ()
    }
    %scan3A_24 = arith.constant 5 : i32
    return
  }
}

#map = affine_map<(d0, d1) -> (0, 0, 0)>
#map1 = affine_map<(d0, d1) -> (0, 0)>
module attributes {stable_mosaic.version = 14 : i64} {
  func.func @k(%arg0: i32, %arg1: i32, %arg2: memref<32x79x128xi32, #tpu.memory_space<hbm>>, %arg3: memref<2x10240xf32, #tpu.memory_space<hbm>>, %arg4: memref<79x128xi32, #tpu.memory_space<vmem>>, %arg5: memref<128xf32, #tpu.memory_space<vmem>>, %arg6: memref<640xf32, #tpu.memory_space<vmem>>, %arg7: memref<10240xf32, #tpu.memory_space<vmem_shared>>) attributes {dimension_semantics = [#tpu.dimension_semantics<core_parallel>, #tpu.dimension_semantics<subcore_parallel>], iteration_bounds = array<i64: 2, 16>, scalar_prefetch = 0 : i64, scratch_operands = 4 : i64, tpu.core_type = #tpu.core_type<sc_vector_subcore>, window_params = [{transform_indices = #map}, {transform_indices = #map1}]} {
    %mul3A = arith.constant 2 : i32
    %mul3A_0 = arith.muli %arg1, %mul3A : i32
    %add3A = arith.addi %mul3A_0, %arg0 : i32
    "tpu.region"() ({
      %run_scoped3A = tpu.sem_alloc : memref<!tpu.dma_semaphore, #tpu.memory_space<semaphore_mem>>
      %dma_start3A = arith.constant 0 : i32
      %dma_start3A_65 = arith.constant 0 : i32
      %dma_start3A_66 = tpu.memref_slice %arg2[%add3A, %dma_start3A, %dma_start3A_65] : memref<32x79x128xi32, #tpu.memory_space<hbm>> -> memref<1x79x128xi32, #tpu.memory_space<hbm>>
      %dma_start3A_67 = tpu.memref_squeeze %dma_start3A_66 : memref<1x79x128xi32, #tpu.memory_space<hbm>> -> memref<79x128xi32, #tpu.memory_space<hbm>>
      %dma_start3A_68 = arith.constant 0 : i32
      %dma_start3A_69 = arith.constant 0 : i32
      %dma_start3A_70 = tpu.memref_slice %arg2[%add3A, %dma_start3A_68, %dma_start3A_69] : memref<32x79x128xi32, #tpu.memory_space<hbm>> -> memref<1x79x128xi32, #tpu.memory_space<hbm>>
      %dma_start3A_71 = tpu.memref_squeeze %dma_start3A_70 : memref<1x79x128xi32, #tpu.memory_space<hbm>> -> memref<79x128xi32, #tpu.memory_space<hbm>>
      tpu.enqueue_dma source(%dma_start3A_71 : memref<79x128xi32, #tpu.memory_space<hbm>>) target(%arg4 : memref<79x128xi32, #tpu.memory_space<vmem>>) target_semaphore(%run_scoped3A : memref<!tpu.dma_semaphore, #tpu.memory_space<semaphore_mem>>)
      %dma_wait3A = arith.constant 0 : i32
      %dma_wait3A_72 = arith.constant 0 : i32
      %dma_wait3A_73 = tpu.memref_slice %arg2[%add3A, %dma_wait3A, %dma_wait3A_72] : memref<32x79x128xi32, #tpu.memory_space<hbm>> -> memref<1x79x128xi32, #tpu.memory_space<hbm>>
      %dma_wait3A_74 = tpu.memref_squeeze %dma_wait3A_73 : memref<1x79x128xi32, #tpu.memory_space<hbm>> -> memref<79x128xi32, #tpu.memory_space<hbm>>
      %dma_wait3A_75 = arith.constant 0 : i32
      %dma_wait3A_76 = arith.constant 0 : i32
      %dma_wait3A_77 = tpu.memref_slice %arg2[%add3A, %dma_wait3A_75, %dma_wait3A_76] : memref<32x79x128xi32, #tpu.memory_space<hbm>> -> memref<1x79x128xi32, #tpu.memory_space<hbm>>
      %dma_wait3A_78 = tpu.memref_squeeze %dma_wait3A_77 : memref<1x79x128xi32, #tpu.memory_space<hbm>> -> memref<79x128xi32, #tpu.memory_space<hbm>>
      tpu.wait_dma2 semaphore(%run_scoped3A : memref<!tpu.dma_semaphore, #tpu.memory_space<semaphore_mem>>) src(%dma_wait3A_78 : memref<79x128xi32, #tpu.memory_space<hbm>>) dst(%arg4 : memref<79x128xi32, #tpu.memory_space<vmem>>)
      tpu.yield
    }) : () -> ()
    %broadcast_in_dim3A = arith.constant 1.000000e+00 : f32
    %broadcast_in_dim3A_1 = vector.broadcast %broadcast_in_dim3A : f32 to vector<16xf32>
    %swap3A = arith.constant 0 : index
    %swap3A_2 = tpu.vector_load %arg5[%swap3A] {strides = array<i32>} : memref<128xf32, #tpu.memory_space<vmem>>, vector<16xf32>,
    %swap3A_3 = vector.shape_cast %swap3A_2 : vector<16xf32> to vector<16xf32>
    %swap3A_4 = vector.shape_cast %broadcast_in_dim3A_1 : vector<16xf32> to vector<16xf32>
    tpu.vector_store %arg5[%swap3A], %swap3A_4 {strides = array<i32>} : memref<128xf32, #tpu.memory_space<vmem>>, vector<16xf32>,
    %broadcast_in_dim3A_5 = arith.constant 1.000000e+00 : f32
    %broadcast_in_dim3A_6 = vector.broadcast %broadcast_in_dim3A_5 : f32 to vector<16xf32>
    %swap3A_7 = arith.constant 16 : index
    %swap3A_8 = tpu.vector_load %arg5[%swap3A_7] {strides = array<i32>} : memref<128xf32, #tpu.memory_space<vmem>>, vector<16xf32>,
    %swap3A_9 = vector.shape_cast %swap3A_8 : vector<16xf32> to vector<16xf32>
    %swap3A_10 = vector.shape_cast %broadcast_in_dim3A_6 : vector<16xf32> to vector<16xf32>
    tpu.vector_store %arg5[%swap3A_7], %swap3A_10 {strides = array<i32>} : memref<128xf32, #tpu.memory_space<vmem>>, vector<16xf32>,
    %broadcast_in_dim3A_11 = arith.constant 1.000000e+00 : f32
    %broadcast_in_dim3A_12 = vector.broadcast %broadcast_in_dim3A_11 : f32 to vector<16xf32>
    %swap3A_13 = arith.constant 32 : index
    %swap3A_14 = tpu.vector_load %arg5[%swap3A_13] {strides = array<i32>} : memref<128xf32, #tpu.memory_space<vmem>>, vector<16xf32>,
    %swap3A_15 = vector.shape_cast %swap3A_14 : vector<16xf32> to vector<16xf32>
    %swap3A_16 = vector.shape_cast %broadcast_in_dim3A_12 : vector<16xf32> to vector<16xf32>
    tpu.vector_store %arg5[%swap3A_13], %swap3A_16 {strides = array<i32>} : memref<128xf32, #tpu.memory_space<vmem>>, vector<16xf32>,
    %broadcast_in_dim3A_17 = arith.constant 1.000000e+00 : f32
    %broadcast_in_dim3A_18 = vector.broadcast %broadcast_in_dim3A_17 : f32 to vector<16xf32>
    %swap3A_19 = arith.constant 48 : index
    %swap3A_20 = tpu.vector_load %arg5[%swap3A_19] {strides = array<i32>} : memref<128xf32, #tpu.memory_space<vmem>>, vector<16xf32>,
    %swap3A_21 = vector.shape_cast %swap3A_20 : vector<16xf32> to vector<16xf32>
    %swap3A_22 = vector.shape_cast %broadcast_in_dim3A_18 : vector<16xf32> to vector<16xf32>
    tpu.vector_store %arg5[%swap3A_19], %swap3A_22 {strides = array<i32>} : memref<128xf32, #tpu.memory_space<vmem>>, vector<16xf32>,
    %broadcast_in_dim3A_23 = arith.constant 1.000000e+00 : f32
    %broadcast_in_dim3A_24 = vector.broadcast %broadcast_in_dim3A_23 : f32 to vector<16xf32>
    %swap3A_25 = arith.constant 64 : index
    %swap3A_26 = tpu.vector_load %arg5[%swap3A_25] {strides = array<i32>} : memref<128xf32, #tpu.memory_space<vmem>>, vector<16xf32>,
    %swap3A_27 = vector.shape_cast %swap3A_26 : vector<16xf32> to vector<16xf32>
    %swap3A_28 = vector.shape_cast %broadcast_in_dim3A_24 : vector<16xf32> to vector<16xf32>
    tpu.vector_store %arg5[%swap3A_25], %swap3A_28 {strides = array<i32>} : memref<128xf32, #tpu.memory_space<vmem>>, vector<16xf32>,
    %broadcast_in_dim3A_29 = arith.constant 1.000000e+00 : f32
    %broadcast_in_dim3A_30 = vector.broadcast %broadcast_in_dim3A_29 : f32 to vector<16xf32>
    %swap3A_31 = arith.constant 80 : index
    %swap3A_32 = tpu.vector_load %arg5[%swap3A_31] {strides = array<i32>} : memref<128xf32, #tpu.memory_space<vmem>>, vector<16xf32>,
    %swap3A_33 = vector.shape_cast %swap3A_32 : vector<16xf32> to vector<16xf32>
    %swap3A_34 = vector.shape_cast %broadcast_in_dim3A_30 : vector<16xf32> to vector<16xf32>
    tpu.vector_store %arg5[%swap3A_31], %swap3A_34 {strides = array<i32>} : memref<128xf32, #tpu.memory_space<vmem>>, vector<16xf32>,
    %broadcast_in_dim3A_35 = arith.constant 1.000000e+00 : f32
    %broadcast_in_dim3A_36 = vector.broadcast %broadcast_in_dim3A_35 : f32 to vector<16xf32>
    %swap3A_37 = arith.constant 96 : index
    %swap3A_38 = tpu.vector_load %arg5[%swap3A_37] {strides = array<i32>} : memref<128xf32, #tpu.memory_space<vmem>>, vector<16xf32>,
    %swap3A_39 = vector.shape_cast %swap3A_38 : vector<16xf32> to vector<16xf32>
    %swap3A_40 = vector.shape_cast %broadcast_in_dim3A_36 : vector<16xf32> to vector<16xf32>
    tpu.vector_store %arg5[%swap3A_37], %swap3A_40 {strides = array<i32>} : memref<128xf32, #tpu.memory_space<vmem>>, vector<16xf32>,
    %broadcast_in_dim3A_41 = arith.constant 1.000000e+00 : f32
    %broadcast_in_dim3A_42 = vector.broadcast %broadcast_in_dim3A_41 : f32 to vector<16xf32>
    %swap3A_43 = arith.constant 112 : index
    %swap3A_44 = tpu.vector_load %arg5[%swap3A_43] {strides = array<i32>} : memref<128xf32, #tpu.memory_space<vmem>>, vector<16xf32>,
    %swap3A_45 = vector.shape_cast %swap3A_44 : vector<16xf32> to vector<16xf32>
    %swap3A_46 = vector.shape_cast %broadcast_in_dim3A_42 : vector<16xf32> to vector<16xf32>
    tpu.vector_store %arg5[%swap3A_43], %swap3A_46 {strides = array<i32>} : memref<128xf32, #tpu.memory_space<vmem>>, vector<16xf32>,
    %scan3A = arith.constant 0 : i32
    %scan3A_47 = arith.constant 0 : i32
    %scan3A_48 = arith.constant 40 : i32
    %scan3A_49 = arith.addi %scan3A_47, %scan3A_48 : i32
    %scan3A_50 = arith.constant 1 : i32
    scf.for %scan3A_65 = %scan3A_47 to %scan3A_49 step %scan3A_50  : i32 {
      %broadcast_in_dim3A_66 = arith.constant 0.000000e+00 : f32
      %broadcast_in_dim3A_67 = vector.broadcast %broadcast_in_dim3A_66 : f32 to vector<16xf32>
      %mul3A_68 = arith.constant 16 : i32
      %mul3A_69 = arith.muli %scan3A_65, %mul3A_68 : i32
      %swap3A_70 = arith.index_cast %mul3A_69 : i32 to index
      %swap3A_71 = tpu.vector_load %arg6[%swap3A_70] {strides = array<i32>} : memref<640xf32, #tpu.memory_space<vmem>>, vector<16xf32>,
      %swap3A_72 = vector.shape_cast %swap3A_71 : vector<16xf32> to vector<16xf32>
      %swap3A_73 = vector.shape_cast %broadcast_in_dim3A_67 : vector<16xf32> to vector<16xf32>
      tpu.vector_store %arg6[%swap3A_70], %swap3A_73 {strides = array<i32>} : memref<640xf32, #tpu.memory_space<vmem>>, vector<16xf32>,
    }
    %scan3A_51 = arith.constant 40 : i32
    %mul3A_52 = arith.constant 640 : i32
    %mul3A_53 = arith.muli %arg1, %mul3A_52 : i32
    "tpu.region"() ({
      %run_scoped3A = tpu.sem_alloc : memref<!tpu.dma_semaphore, #tpu.memory_space<semaphore_mem>>
      %dma_start3A = tpu.memref_slice %arg7[%mul3A_53] : memref<10240xf32, #tpu.memory_space<vmem_shared>> -> memref<640xf32, #tpu.memory_space<vmem_shared>>
      %dma_start3A_65 = tpu.memref_slice %arg7[%mul3A_53] : memref<10240xf32, #tpu.memory_space<vmem_shared>> -> memref<640xf32, #tpu.memory_space<vmem_shared>>
      tpu.enqueue_dma source(%arg6 : memref<640xf32, #tpu.memory_space<vmem>>) target(%dma_start3A_65 : memref<640xf32, #tpu.memory_space<vmem_shared>>) target_semaphore(%run_scoped3A : memref<!tpu.dma_semaphore, #tpu.memory_space<semaphore_mem>>)
      %dma_wait3A = tpu.memref_slice %arg7[%mul3A_53] : memref<10240xf32, #tpu.memory_space<vmem_shared>> -> memref<640xf32, #tpu.memory_space<vmem_shared>>
      %dma_wait3A_66 = tpu.memref_slice %arg7[%mul3A_53] : memref<10240xf32, #tpu.memory_space<vmem_shared>> -> memref<640xf32, #tpu.memory_space<vmem_shared>>
      tpu.wait_dma2 semaphore(%run_scoped3A : memref<!tpu.dma_semaphore, #tpu.memory_space<semaphore_mem>>) src(%arg6 : memref<640xf32, #tpu.memory_space<vmem>>) dst(%dma_wait3A_66 : memref<640xf32, #tpu.memory_space<vmem_shared>>)
      tpu.yield
    }) : () -> ()
    %barrier3A = arith.constant 0 : index
    tpu.barrier barrier_id(%barrier3A)
    %scan3A_54 = arith.constant 0 : i32
    %scan3A_55 = arith.constant 0 : i32
    %scan3A_56 = arith.constant 79 : i32
    %scan3A_57 = arith.addi %scan3A_55, %scan3A_56 : i32
    %scan3A_58 = arith.constant 1 : i32
    scf.for %scan3A_65 = %scan3A_55 to %scan3A_57 step %scan3A_58  : i32 {
      "tpu.region"() ({
        %run_scoped3A = tpu.sem_alloc : memref<!tpu.dma_semaphore, #tpu.memory_space<semaphore_mem>>
        %dma_start3A = arith.constant 0 : i32
        %dma_start3A_66 = tpu.memref_slice %arg4[%scan3A_65, %dma_start3A] : memref<79x128xi32, #tpu.memory_space<vmem>> -> memref<1x128xi32, #tpu.memory_space<vmem>>
        %dma_start3A_67 = tpu.memref_squeeze %dma_start3A_66 : memref<1x128xi32, #tpu.memory_space<vmem>> -> memref<128xi32, #tpu.memory_space<vmem>>
        %dma_start3A_68 = arith.constant 0 : i32
        %dma_start3A_69 = tpu.memref_slice %arg7[%dma_start3A_68] : memref<10240xf32, #tpu.memory_space<vmem_shared>> -> memref<10240xf32, #tpu.memory_space<vmem_shared>>
        tpu.enqueue_indirect_dma source(%arg5 : memref<128xf32, #tpu.memory_space<vmem>>) target(%dma_start3A_69 : memref<10240xf32, #tpu.memory_space<vmem_shared>>) offsets(%dma_start3A_67 : memref<128xi32, #tpu.memory_space<vmem>>) semaphore(%run_scoped3A : memref<!tpu.dma_semaphore, #tpu.memory_space<semaphore_mem>>) {add = true}
        %dma_wait3A = arith.constant 0 : i32
        %dma_wait3A_70 = tpu.memref_slice %arg4[%scan3A_65, %dma_wait3A] : memref<79x128xi32, #tpu.memory_space<vmem>> -> memref<1x128xi32, #tpu.memory_space<vmem>>
        %dma_wait3A_71 = tpu.memref_squeeze %dma_wait3A_70 : memref<1x128xi32, #tpu.memory_space<vmem>> -> memref<128xi32, #tpu.memory_space<vmem>>
        %dma_wait3A_72 = arith.constant 0 : i32
        %dma_wait3A_73 = tpu.memref_slice %arg7[%dma_wait3A_72] : memref<10240xf32, #tpu.memory_space<vmem_shared>> -> memref<10240xf32, #tpu.memory_space<vmem_shared>>
        tpu.wait_indirect_dma semaphore(%run_scoped3A : memref<!tpu.dma_semaphore, #tpu.memory_space<semaphore_mem>>) src(%arg5 : memref<128xf32, #tpu.memory_space<vmem>>) dst(%dma_wait3A_73 : memref<10240xf32, #tpu.memory_space<vmem_shared>>)
        tpu.yield
      }) : () -> ()
    }
    %scan3A_59 = arith.constant 79 : i32
    %barrier3A_60 = arith.constant 0 : index
    tpu.barrier barrier_id(%barrier3A_60)
    %mul3A_61 = arith.constant 640 : i32
    %mul3A_62 = arith.muli %arg1, %mul3A_61 : i32
    "tpu.region"() ({
      %run_scoped3A = tpu.sem_alloc : memref<!tpu.dma_semaphore, #tpu.memory_space<semaphore_mem>>
      %dma_start3A = tpu.memref_slice %arg7[%mul3A_62] : memref<10240xf32, #tpu.memory_space<vmem_shared>> -> memref<640xf32, #tpu.memory_space<vmem_shared>>
      %dma_start3A_65 = tpu.memref_slice %arg7[%mul3A_62] : memref<10240xf32, #tpu.memory_space<vmem_shared>> -> memref<640xf32, #tpu.memory_space<vmem_shared>>
      tpu.enqueue_dma source(%dma_start3A_65 : memref<640xf32, #tpu.memory_space<vmem_shared>>) target(%arg6 : memref<640xf32, #tpu.memory_space<vmem>>) target_semaphore(%run_scoped3A : memref<!tpu.dma_semaphore, #tpu.memory_space<semaphore_mem>>)
      %dma_wait3A = tpu.memref_slice %arg7[%mul3A_62] : memref<10240xf32, #tpu.memory_space<vmem_shared>> -> memref<640xf32, #tpu.memory_space<vmem_shared>>
      %dma_wait3A_66 = tpu.memref_slice %arg7[%mul3A_62] : memref<10240xf32, #tpu.memory_space<vmem_shared>> -> memref<640xf32, #tpu.memory_space<vmem_shared>>
      tpu.wait_dma2 semaphore(%run_scoped3A : memref<!tpu.dma_semaphore, #tpu.memory_space<semaphore_mem>>) src(%dma_wait3A_66 : memref<640xf32, #tpu.memory_space<vmem_shared>>) dst(%arg6 : memref<640xf32, #tpu.memory_space<vmem>>)
      tpu.yield
    }) : () -> ()
    %mul3A_63 = arith.constant 640 : i32
    %mul3A_64 = arith.muli %arg1, %mul3A_63 : i32
    "tpu.region"() ({
      %run_scoped3A = tpu.sem_alloc : memref<!tpu.dma_semaphore, #tpu.memory_space<semaphore_mem>>
      %dma_start3A = tpu.memref_slice %arg3[%arg0, %mul3A_64] : memref<2x10240xf32, #tpu.memory_space<hbm>> -> memref<1x640xf32, #tpu.memory_space<hbm>>
      %dma_start3A_65 = tpu.memref_squeeze %dma_start3A : memref<1x640xf32, #tpu.memory_space<hbm>> -> memref<640xf32, #tpu.memory_space<hbm>>
      %dma_start3A_66 = tpu.memref_slice %arg3[%arg0, %mul3A_64] : memref<2x10240xf32, #tpu.memory_space<hbm>> -> memref<1x640xf32, #tpu.memory_space<hbm>>
      %dma_start3A_67 = tpu.memref_squeeze %dma_start3A_66 : memref<1x640xf32, #tpu.memory_space<hbm>> -> memref<640xf32, #tpu.memory_space<hbm>>
      tpu.enqueue_dma source(%arg6 : memref<640xf32, #tpu.memory_space<vmem>>) target(%dma_start3A_67 : memref<640xf32, #tpu.memory_space<hbm>>) target_semaphore(%run_scoped3A : memref<!tpu.dma_semaphore, #tpu.memory_space<semaphore_mem>>)
      %dma_wait3A = tpu.memref_slice %arg3[%arg0, %mul3A_64] : memref<2x10240xf32, #tpu.memory_space<hbm>> -> memref<1x640xf32, #tpu.memory_space<hbm>>
      %dma_wait3A_68 = tpu.memref_squeeze %dma_wait3A : memref<1x640xf32, #tpu.memory_space<hbm>> -> memref<640xf32, #tpu.memory_space<hbm>>
      %dma_wait3A_69 = tpu.memref_slice %arg3[%arg0, %mul3A_64] : memref<2x10240xf32, #tpu.memory_space<hbm>> -> memref<1x640xf32, #tpu.memory_space<hbm>>
      %dma_wait3A_70 = tpu.memref_squeeze %dma_wait3A_69 : memref<1x640xf32, #tpu.memory_space<hbm>> -> memref<640xf32, #tpu.memory_space<hbm>>
      tpu.wait_dma2 semaphore(%run_scoped3A : memref<!tpu.dma_semaphore, #tpu.memory_space<semaphore_mem>>) src(%arg6 : memref<640xf32, #tpu.memory_space<vmem>>) dst(%dma_wait3A_70 : memref<640xf32, #tpu.memory_space<hbm>>)
      tpu.yield
    }) : () -> ()
    return
  }
}

module attributes {stable_mosaic.version = 14 : i64} {
  func.func @body(%arg0: i32, %arg1: memref<2048x128xf32, #tpu.memory_space<vmem>>, %arg2: memref<2x2048xf32, #tpu.memory_space<vmem>>, %arg3: memref<128x64xf32, #tpu.memory_space<vmem>>, %arg4: memref<2048x64xf32, #tpu.memory_space<vmem>>) attributes {dimension_semantics = [#tpu.dimension_semantics<arbitrary>], iteration_bounds = array<i64: 5>, scalar_prefetch = 0 : i64, scratch_operands = 0 : i64, tpu.core_type = #tpu.core_type<tc>, window_params = [{transform_indices = @transform_0, window_bounds = array<i64: 2048, 128>}, {transform_indices = @transform_1, window_bounds = array<i64: 2, 2048>}, {pipeline_mode = #tpu.pipeline_mode<synchronous>, transform_indices = @transform_2, window_bounds = array<i64: 128, 64>}, {transform_indices = @transform_3, window_bounds = array<i64: 2048, 64>}]} {
    %get3A = arith.constant 0 : index
    %get3A_0 = arith.constant 0 : index
    %get3A_1 = vector.load %arg2[%get3A, %get3A_0] : memref<2x2048xf32, #tpu.memory_space<vmem>>, vector<1x2048xf32>
    %get3A_2 = vector.shape_cast %get3A_1 : vector<1x2048xf32> to vector<2048xf32>
    %get3A_3 = arith.constant 1 : index
    %get3A_4 = arith.constant 0 : index
    %get3A_5 = vector.load %arg2[%get3A_3, %get3A_4] : memref<2x2048xf32, #tpu.memory_space<vmem>>, vector<1x2048xf32>
    %get3A_6 = vector.shape_cast %get3A_5 : vector<1x2048xf32> to vector<2048xf32>
    %add3A = arith.addf %get3A_2, %get3A_6 : vector<2048xf32>
    %add3A_7 = arith.constant 1.000000e+00 : f32
    %add3A_8 = vector.broadcast %add3A_7 : f32 to vector<2048xf32>
    %add3A_9 = arith.addf %add3A, %add3A_8 : vector<2048xf32>
    %rsqrt3A = math.rsqrt %add3A_9 : vector<2048xf32>
    %get3A_10 = arith.constant 0 : index
    %get3A_11 = arith.constant 0 : index
    %get3A_12 = vector.load %arg1[%get3A_10, %get3A_11] : memref<2048x128xf32, #tpu.memory_space<vmem>>, vector<2048x128xf32>
    %get3A_13 = arith.constant 0 : index
    %get3A_14 = arith.constant 0 : index
    %get3A_15 = vector.load %arg3[%get3A_13, %get3A_14] : memref<128x64xf32, #tpu.memory_space<vmem>>, vector<128x64xf32>
    %dot_general3A = arith.constant dense<0.000000e+00> : vector<2048x64xf32>
    %dot_general3A_16 = tpu.matmul %get3A_12, %get3A_15, %dot_general3A {dimension_numbers = #tpu.dot_dimension_numbers<[1], [0], [0], [1], [0, 0, 1, 1], [], []>, transpose_lhs_hint = false} : vector<2048x128xf32>, vector<128x64xf32>, vector<2048x64xf32> -> vector<2048x64xf32>
    %broadcast_in_dim3A = vector.shape_cast %rsqrt3A : vector<2048xf32> to vector<2048x1xf32>
    %mul3A = vector.broadcast %broadcast_in_dim3A : vector<2048x1xf32> to vector<2048x64xf32>
    %mul3A_17 = arith.mulf %dot_general3A_16, %mul3A : vector<2048x64xf32>
    %swap3A = arith.constant 0 : index
    %swap3A_18 = arith.constant 0 : index
    %swap3A_19 = vector.load %arg4[%swap3A, %swap3A_18] : memref<2048x64xf32, #tpu.memory_space<vmem>>, vector<2048x64xf32>
    tpu.vector_store %arg4[%swap3A, %swap3A_18], %mul3A_17 {strides = array<i32>} : memref<2048x64xf32, #tpu.memory_space<vmem>>, vector<2048x64xf32>,
    return
  }
  func.func @transform_0(%arg0: i32) -> (i32, i32) {
    %c0_i32 = arith.constant 0 : i32
    %c0_i32_0 = arith.constant 0 : i32
    return %arg0, %c0_i32 : i32, i32
  }
  func.func @transform_1(%arg0: i32) -> (i32, i32) {
    %c0_i32 = arith.constant 0 : i32
    %c0_i32_0 = arith.constant 0 : i32
    return %c0_i32, %arg0 : i32, i32
  }
  func.func @transform_2(%arg0: i32) -> (i32, i32) {
    %c0_i32 = arith.constant 0 : i32
    %c0_i32_0 = arith.constant 0 : i32
    %c0_i32_1 = arith.constant 0 : i32
    return %c0_i32, %c0_i32_0 : i32, i32
  }
  func.func @transform_3(%arg0: i32) -> (i32, i32) {
    %c0_i32 = arith.constant 0 : i32
    %c0_i32_0 = arith.constant 0 : i32
    return %arg0, %c0_i32 : i32, i32
  }
}

module attributes {stable_mosaic.version = 14 : i64} {
  func.func @body(%arg0: i32, %arg1: memref<2x2048xf32, #tpu.memory_space<vmem>>, %arg2: memref<2x2048x64xf32, #tpu.memory_space<vmem>>, %arg3: memref<2048x64xf32, #tpu.memory_space<vmem>>, %arg4: memref<64x64xf32, #tpu.memory_space<vmem>>, %arg5: memref<1x64xf32, #tpu.memory_space<vmem>>, %arg6: memref<2048x64xf32, #tpu.memory_space<vmem>>) attributes {dimension_semantics = [#tpu.dimension_semantics<arbitrary>], iteration_bounds = array<i64: 5>, scalar_prefetch = 0 : i64, scratch_operands = 0 : i64, tpu.core_type = #tpu.core_type<tc>, window_params = [{transform_indices = @transform_0, window_bounds = array<i64: 2, 2048>}, {transform_indices = @transform_1, window_bounds = array<i64: 2, 2048, 64>}, {transform_indices = @transform_2, window_bounds = array<i64: 2048, 64>}, {pipeline_mode = #tpu.pipeline_mode<synchronous>, transform_indices = @transform_3, window_bounds = array<i64: 64, 64>}, {pipeline_mode = #tpu.pipeline_mode<synchronous>, transform_indices = @transform_4, window_bounds = array<i64: 1, 64>}, {transform_indices = @transform_5, window_bounds = array<i64: 2048, 64>}]} {
    %get3A = arith.constant 0 : index
    %get3A_0 = arith.constant 0 : index
    %get3A_1 = vector.load %arg1[%get3A, %get3A_0] : memref<2x2048xf32, #tpu.memory_space<vmem>>, vector<1x2048xf32>
    %get3A_2 = vector.shape_cast %get3A_1 : vector<1x2048xf32> to vector<2048xf32>
    %get3A_3 = arith.constant 1 : index
    %get3A_4 = arith.constant 0 : index
    %get3A_5 = vector.load %arg1[%get3A_3, %get3A_4] : memref<2x2048xf32, #tpu.memory_space<vmem>>, vector<1x2048xf32>
    %get3A_6 = vector.shape_cast %get3A_5 : vector<1x2048xf32> to vector<2048xf32>
    %add3A = arith.addf %get3A_2, %get3A_6 : vector<2048xf32>
    %add3A_7 = arith.constant 1.000000e+00 : f32
    %add3A_8 = vector.broadcast %add3A_7 : f32 to vector<2048xf32>
    %add3A_9 = arith.addf %add3A, %add3A_8 : vector<2048xf32>
    %rsqrt3A = math.rsqrt %add3A_9 : vector<2048xf32>
    %get3A_10 = arith.constant 0 : index
    %get3A_11 = arith.constant 0 : index
    %get3A_12 = arith.constant 0 : index
    %get3A_13 = vector.load %arg2[%get3A_10, %get3A_11, %get3A_12] : memref<2x2048x64xf32, #tpu.memory_space<vmem>>, vector<1x2048x64xf32>
    %get3A_14 = vector.shape_cast %get3A_13 : vector<1x2048x64xf32> to vector<2048x64xf32>
    %get3A_15 = arith.constant 1 : index
    %get3A_16 = arith.constant 0 : index
    %get3A_17 = arith.constant 0 : index
    %get3A_18 = vector.load %arg2[%get3A_15, %get3A_16, %get3A_17] : memref<2x2048x64xf32, #tpu.memory_space<vmem>>, vector<1x2048x64xf32>
    %get3A_19 = vector.shape_cast %get3A_18 : vector<1x2048x64xf32> to vector<2048x64xf32>
    %add3A_20 = arith.addf %get3A_14, %get3A_19 : vector<2048x64xf32>
    %get3A_21 = arith.constant 0 : index
    %get3A_22 = arith.constant 0 : index
    %get3A_23 = vector.load %arg3[%get3A_21, %get3A_22] : memref<2048x64xf32, #tpu.memory_space<vmem>>, vector<2048x64xf32>
    %add3A_24 = arith.addf %add3A_20, %get3A_23 : vector<2048x64xf32>
    %broadcast_in_dim3A = vector.shape_cast %rsqrt3A : vector<2048xf32> to vector<2048x1xf32>
    %mul3A = vector.broadcast %broadcast_in_dim3A : vector<2048x1xf32> to vector<2048x64xf32>
    %mul3A_25 = arith.mulf %add3A_24, %mul3A : vector<2048x64xf32>
    %get3A_26 = arith.constant 0 : index
    %get3A_27 = arith.constant 0 : index
    %get3A_28 = vector.load %arg5[%get3A_26, %get3A_27] : memref<1x64xf32, #tpu.memory_space<vmem>>, vector<1x64xf32>
    %add3A_29 = vector.broadcast %get3A_28 : vector<1x64xf32> to vector<2048x64xf32>
    %add3A_30 = arith.addf %mul3A_25, %add3A_29 : vector<2048x64xf32>
    %max3A = arith.constant 0.000000e+00 : f32
    %max3A_31 = vector.broadcast %max3A : f32 to vector<2048x64xf32>
    %max3A_32 = arith.maximumf %add3A_30, %max3A_31 : vector<2048x64xf32>
    %get3A_33 = arith.constant 0 : index
    %get3A_34 = arith.constant 0 : index
    %get3A_35 = vector.load %arg4[%get3A_33, %get3A_34] : memref<64x64xf32, #tpu.memory_space<vmem>>, vector<64x64xf32>
    %dot_general3A = arith.constant dense<0.000000e+00> : vector<2048x64xf32>
    %dot_general3A_36 = tpu.matmul %max3A_32, %get3A_35, %dot_general3A {dimension_numbers = #tpu.dot_dimension_numbers<[1], [0], [0], [1], [0, 0, 1, 1], [], []>, transpose_lhs_hint = false} : vector<2048x64xf32>, vector<64x64xf32>, vector<2048x64xf32> -> vector<2048x64xf32>
    %broadcast_in_dim3A_37 = vector.shape_cast %rsqrt3A : vector<2048xf32> to vector<2048x1xf32>
    %mul3A_38 = vector.broadcast %broadcast_in_dim3A_37 : vector<2048x1xf32> to vector<2048x64xf32>
    %mul3A_39 = arith.mulf %dot_general3A_36, %mul3A_38 : vector<2048x64xf32>
    %swap3A = arith.constant 0 : index
    %swap3A_40 = arith.constant 0 : index
    %swap3A_41 = vector.load %arg6[%swap3A, %swap3A_40] : memref<2048x64xf32, #tpu.memory_space<vmem>>, vector<2048x64xf32>
    tpu.vector_store %arg6[%swap3A, %swap3A_40], %mul3A_39 {strides = array<i32>} : memref<2048x64xf32, #tpu.memory_space<vmem>>, vector<2048x64xf32>,
    return
  }
  func.func @transform_0(%arg0: i32) -> (i32, i32) {
    %c0_i32 = arith.constant 0 : i32
    %c0_i32_0 = arith.constant 0 : i32
    return %c0_i32, %arg0 : i32, i32
  }
  func.func @transform_1(%arg0: i32) -> (i32, i32, i32) {
    %c0_i32 = arith.constant 0 : i32
    %c0_i32_0 = arith.constant 0 : i32
    %c0_i32_1 = arith.constant 0 : i32
    return %c0_i32, %arg0, %c0_i32_0 : i32, i32, i32
  }
  func.func @transform_2(%arg0: i32) -> (i32, i32) {
    %c0_i32 = arith.constant 0 : i32
    %c0_i32_0 = arith.constant 0 : i32
    return %arg0, %c0_i32 : i32, i32
  }
  func.func @transform_3(%arg0: i32) -> (i32, i32) {
    %c0_i32 = arith.constant 0 : i32
    %c0_i32_0 = arith.constant 0 : i32
    %c0_i32_1 = arith.constant 0 : i32
    return %c0_i32, %c0_i32_0 : i32, i32
  }
  func.func @transform_4(%arg0: i32) -> (i32, i32) {
    %c0_i32 = arith.constant 0 : i32
    %c0_i32_0 = arith.constant 0 : i32
    %c0_i32_1 = arith.constant 0 : i32
    return %c0_i32, %c0_i32_0 : i32, i32
  }
  func.func @transform_5(%arg0: i32) -> (i32, i32) {
    %c0_i32 = arith.constant 0 : i32
    %c0_i32_0 = arith.constant 0 : i32
    return %arg0, %c0_i32 : i32, i32
  }
}

module attributes {stable_mosaic.version = 14 : i64} {
  func.func @body(%arg0: i32, %arg1: memref<2x2048xf32, #tpu.memory_space<vmem>>, %arg2: memref<2x2048x64xf32, #tpu.memory_space<vmem>>, %arg3: memref<2048x64xf32, #tpu.memory_space<vmem>>, %arg4: memref<1x64xf32, #tpu.memory_space<vmem>>, %arg5: memref<1x1x2048xi32, #tpu.memory_space<vmem>>, %arg6: memref<64x20xf32, #tpu.memory_space<vmem>>, %arg7: memref<1x20xf32, #tpu.memory_space<vmem>>, %arg8: memref<64x20xf32, #tpu.memory_space<vmem>>, %arg9: memref<64x64xf32, #tpu.memory_space<vmem>>, %arg10: memref<64x1xf32, #tpu.memory_space<vmem>>) attributes {dimension_semantics = [#tpu.dimension_semantics<arbitrary>], iteration_bounds = array<i64: 5>, scalar_prefetch = 0 : i64, scratch_operands = 2 : i64, tpu.core_type = #tpu.core_type<tc>, window_params = [{transform_indices = @transform_0, window_bounds = array<i64: 2, 2048>}, {transform_indices = @transform_1, window_bounds = array<i64: 2, 2048, 64>}, {transform_indices = @transform_2, window_bounds = array<i64: 2048, 64>}, {pipeline_mode = #tpu.pipeline_mode<synchronous>, transform_indices = @transform_3, window_bounds = array<i64: 1, 64>}, {transform_indices = @transform_4, window_bounds = array<i64: 1, 1, 2048>}, {pipeline_mode = #tpu.pipeline_mode<synchronous>, transform_indices = @transform_5, window_bounds = array<i64: 64, 20>}, {pipeline_mode = #tpu.pipeline_mode<synchronous>, transform_indices = @transform_6, window_bounds = array<i64: 1, 20>}, {pipeline_mode = #tpu.pipeline_mode<synchronous>, transform_indices = @transform_7, window_bounds = array<i64: 64, 20>}]} {
    %eq3A = arith.constant 0 : i32
    %eq3A_0 = arith.cmpi eq, %arg0, %eq3A : i32
    %convert_element_type3A = arith.extui %eq3A_0 : i1 to i32
    %cond3A = arith.constant 0 : i32
    %cond3A_1 = arith.cmpi ne, %convert_element_type3A, %cond3A : i32
    scf.if %cond3A_1 {
      %broadcast_in_dim3A_65 = arith.constant 0.000000e+00 : f32
      %broadcast_in_dim3A_66 = vector.broadcast %broadcast_in_dim3A_65 : f32 to vector<64x64xf32>
      %swap3A_67 = arith.constant 0 : index
      %swap3A_68 = arith.constant 0 : index
      %swap3A_69 = vector.load %arg9[%swap3A_67, %swap3A_68] : memref<64x64xf32, #tpu.memory_space<vmem>>, vector<64x64xf32>
      tpu.vector_store %arg9[%swap3A_67, %swap3A_68], %broadcast_in_dim3A_66 {strides = array<i32>} : memref<64x64xf32, #tpu.memory_space<vmem>>, vector<64x64xf32>,
      %broadcast_in_dim3A_70 = arith.constant 0.000000e+00 : f32
      %broadcast_in_dim3A_71 = vector.broadcast %broadcast_in_dim3A_70 : f32 to vector<64x1xf32>
      %swap3A_72 = arith.constant 0 : index
      %swap3A_73 = arith.constant 0 : index
      %swap3A_74 = vector.load %arg10[%swap3A_72, %swap3A_73] : memref<64x1xf32, #tpu.memory_space<vmem>>, vector<64x1xf32>
      tpu.vector_store %arg10[%swap3A_72, %swap3A_73], %broadcast_in_dim3A_71 {strides = array<i32>} : memref<64x1xf32, #tpu.memory_space<vmem>>, vector<64x1xf32>,
    } else {
    }
    %get3A = arith.constant 0 : index
    %get3A_2 = arith.constant 0 : index
    %get3A_3 = vector.load %arg1[%get3A, %get3A_2] : memref<2x2048xf32, #tpu.memory_space<vmem>>, vector<1x2048xf32>
    %get3A_4 = vector.shape_cast %get3A_3 : vector<1x2048xf32> to vector<2048xf32>
    %get3A_5 = arith.constant 1 : index
    %get3A_6 = arith.constant 0 : index
    %get3A_7 = vector.load %arg1[%get3A_5, %get3A_6] : memref<2x2048xf32, #tpu.memory_space<vmem>>, vector<1x2048xf32>
    %get3A_8 = vector.shape_cast %get3A_7 : vector<1x2048xf32> to vector<2048xf32>
    %add3A = arith.addf %get3A_4, %get3A_8 : vector<2048xf32>
    %add3A_9 = arith.constant 1.000000e+00 : f32
    %add3A_10 = vector.broadcast %add3A_9 : f32 to vector<2048xf32>
    %add3A_11 = arith.addf %add3A, %add3A_10 : vector<2048xf32>
    %rsqrt3A = math.rsqrt %add3A_11 : vector<2048xf32>
    %get3A_12 = arith.constant 0 : index
    %get3A_13 = arith.constant 0 : index
    %get3A_14 = arith.constant 0 : index
    %get3A_15 = vector.load %arg2[%get3A_12, %get3A_13, %get3A_14] : memref<2x2048x64xf32, #tpu.memory_space<vmem>>, vector<1x2048x64xf32>
    %get3A_16 = vector.shape_cast %get3A_15 : vector<1x2048x64xf32> to vector<2048x64xf32>
    %get3A_17 = arith.constant 1 : index
    %get3A_18 = arith.constant 0 : index
    %get3A_19 = arith.constant 0 : index
    %get3A_20 = vector.load %arg2[%get3A_17, %get3A_18, %get3A_19] : memref<2x2048x64xf32, #tpu.memory_space<vmem>>, vector<1x2048x64xf32>
    %get3A_21 = vector.shape_cast %get3A_20 : vector<1x2048x64xf32> to vector<2048x64xf32>
    %add3A_22 = arith.addf %get3A_16, %get3A_21 : vector<2048x64xf32>
    %get3A_23 = arith.constant 0 : index
    %get3A_24 = arith.constant 0 : index
    %get3A_25 = vector.load %arg3[%get3A_23, %get3A_24] : memref<2048x64xf32, #tpu.memory_space<vmem>>, vector<2048x64xf32>
    %add3A_26 = arith.addf %add3A_22, %get3A_25 : vector<2048x64xf32>
    %broadcast_in_dim3A = vector.shape_cast %rsqrt3A : vector<2048xf32> to vector<2048x1xf32>
    %mul3A = vector.broadcast %broadcast_in_dim3A : vector<2048x1xf32> to vector<2048x64xf32>
    %mul3A_27 = arith.mulf %add3A_26, %mul3A : vector<2048x64xf32>
    %get3A_28 = arith.constant 0 : index
    %get3A_29 = arith.constant 0 : index
    %get3A_30 = vector.load %arg4[%get3A_28, %get3A_29] : memref<1x64xf32, #tpu.memory_space<vmem>>, vector<1x64xf32>
    %add3A_31 = vector.broadcast %get3A_30 : vector<1x64xf32> to vector<2048x64xf32>
    %add3A_32 = arith.addf %mul3A_27, %add3A_31 : vector<2048x64xf32>
    %max3A = arith.constant 0.000000e+00 : f32
    %max3A_33 = vector.broadcast %max3A : f32 to vector<2048x64xf32>
    %max3A_34 = arith.maximumf %add3A_32, %max3A_33 : vector<2048x64xf32>
    %iota3A = tpu.iota {dimensions = array<i32: 0>} : vector<64x2048xi32>
    %get3A_35 = arith.constant 0 : index
    %get3A_36 = arith.constant 0 : index
    %get3A_37 = arith.constant 0 : index
    %get3A_38 = vector.load %arg5[%get3A_35, %get3A_36, %get3A_37] : memref<1x1x2048xi32, #tpu.memory_space<vmem>>, vector<1x1x2048xi32>
    %get3A_39 = vector.shape_cast %get3A_38 : vector<1x1x2048xi32> to vector<1x2048xi32>
    %eq3A_40 = vector.broadcast %get3A_39 : vector<1x2048xi32> to vector<64x2048xi32>
    %eq3A_41 = arith.cmpi eq, %eq3A_40, %iota3A : vector<64x2048xi32>
    %convert_element_type3A_42 = arith.extui %eq3A_41 : vector<64x2048xi1> to vector<64x2048xi32>
    %convert_element_type3A_43 = arith.sitofp %convert_element_type3A_42 : vector<64x2048xi32> to vector<64x2048xf32>
    %get3A_44 = arith.constant 0 : index
    %get3A_45 = arith.constant 0 : index
    %get3A_46 = vector.load %arg9[%get3A_44, %get3A_45] : memref<64x64xf32, #tpu.memory_space<vmem>>, vector<64x64xf32>
    %dot_general3A = arith.constant dense<0.000000e+00> : vector<64x64xf32>
    %dot_general3A_47 = tpu.matmul %convert_element_type3A_43, %max3A_34, %dot_general3A {dimension_numbers = #tpu.dot_dimension_numbers<[1], [0], [0], [1], [0, 0, 1, 1], [], []>, transpose_lhs_hint = false} : vector<64x2048xf32>, vector<2048x64xf32>, vector<64x64xf32> -> vector<64x64xf32>
    %add3A_48 = arith.addf %get3A_46, %dot_general3A_47 : vector<64x64xf32>
    %swap3A = arith.constant 0 : index
    %swap3A_49 = arith.constant 0 : index
    %swap3A_50 = vector.load %arg9[%swap3A, %swap3A_49] : memref<64x64xf32, #tpu.memory_space<vmem>>, vector<64x64xf32>
    tpu.vector_store %arg9[%swap3A, %swap3A_49], %add3A_48 {strides = array<i32>} : memref<64x64xf32, #tpu.memory_space<vmem>>, vector<64x64xf32>,
    %get3A_51 = arith.constant 0 : index
    %get3A_52 = arith.constant 0 : index
    %get3A_53 = vector.load %arg10[%get3A_51, %get3A_52] : memref<64x1xf32, #tpu.memory_space<vmem>>, vector<64x1xf32>
    %reduce_sum3A = arith.constant dense<0.000000e+00> : vector<64xf32>
    %reduce_sum3A_54 = vector.multi_reduction <add>, %convert_element_type3A_43, %reduce_sum3A [1] : vector<64x2048xf32> to vector<64xf32>
    %broadcast_in_dim3A_55 = vector.shape_cast %reduce_sum3A_54 : vector<64xf32> to vector<64x1xf32>
    %add3A_56 = arith.addf %get3A_53, %broadcast_in_dim3A_55 : vector<64x1xf32>
    %swap3A_57 = arith.constant 0 : index
    %swap3A_58 = arith.constant 0 : index
    %swap3A_59 = vector.load %arg10[%swap3A_57, %swap3A_58] : memref<64x1xf32, #tpu.memory_space<vmem>>, vector<64x1xf32>
    tpu.vector_store %arg10[%swap3A_57, %swap3A_58], %add3A_56 {strides = array<i32>} : memref<64x1xf32, #tpu.memory_space<vmem>>, vector<64x1xf32>,
    %eq3A_60 = arith.constant 4 : i32
    %eq3A_61 = arith.cmpi eq, %arg0, %eq3A_60 : i32
    %convert_element_type3A_62 = arith.extui %eq3A_61 : i1 to i32
    %cond3A_63 = arith.constant 0 : i32
    %cond3A_64 = arith.cmpi ne, %convert_element_type3A_62, %cond3A_63 : i32
    scf.if %cond3A_64 {
      %get3A_65 = arith.constant 0 : index
      %get3A_66 = arith.constant 0 : index
      %get3A_67 = vector.load %arg9[%get3A_65, %get3A_66] : memref<64x64xf32, #tpu.memory_space<vmem>>, vector<64x64xf32>
      %get3A_68 = arith.constant 0 : index
      %get3A_69 = arith.constant 0 : index
      %get3A_70 = vector.load %arg10[%get3A_68, %get3A_69] : memref<64x1xf32, #tpu.memory_space<vmem>>, vector<64x1xf32>
      %max3A_71 = arith.constant 1.000000e+00 : f32
      %max3A_72 = vector.broadcast %max3A_71 : f32 to vector<64x1xf32>
      %max3A_73 = arith.maximumf %get3A_70, %max3A_72 : vector<64x1xf32>
      %div3A = vector.broadcast %max3A_73 : vector<64x1xf32> to vector<64x64xf32>
      %div3A_74 = arith.divf %get3A_67, %div3A : vector<64x64xf32>
      %get3A_75 = arith.constant 0 : index
      %get3A_76 = arith.constant 0 : index
      %get3A_77 = vector.load %arg6[%get3A_75, %get3A_76] : memref<64x20xf32, #tpu.memory_space<vmem>>, vector<64x20xf32>
      %dot_general3A_78 = arith.constant dense<0.000000e+00> : vector<64x20xf32>
      %dot_general3A_79 = tpu.matmul %div3A_74, %get3A_77, %dot_general3A_78 {dimension_numbers = #tpu.dot_dimension_numbers<[1], [0], [0], [1], [0, 0, 1, 1], [], []>, transpose_lhs_hint = false} : vector<64x64xf32>, vector<64x20xf32>, vector<64x20xf32> -> vector<64x20xf32>
      %get3A_80 = arith.constant 0 : index
      %get3A_81 = arith.constant 0 : index
      %get3A_82 = vector.load %arg7[%get3A_80, %get3A_81] : memref<1x20xf32, #tpu.memory_space<vmem>>, vector<1x20xf32>
      %add3A_83 = vector.broadcast %get3A_82 : vector<1x20xf32> to vector<64x20xf32>
      %add3A_84 = arith.addf %dot_general3A_79, %add3A_83 : vector<64x20xf32>
      %swap3A_85 = arith.constant 0 : index
      %swap3A_86 = arith.constant 0 : index
      %swap3A_87 = vector.load %arg8[%swap3A_85, %swap3A_86] : memref<64x20xf32, #tpu.memory_space<vmem>>, vector<64x20xf32>
      tpu.vector_store %arg8[%swap3A_85, %swap3A_86], %add3A_84 {strides = array<i32>} : memref<64x20xf32, #tpu.memory_space<vmem>>, vector<64x20xf32>,
    } else {
    }
    return
  }
  func.func @transform_0(%arg0: i32) -> (i32, i32) {
    %c0_i32 = arith.constant 0 : i32
    %c0_i32_0 = arith.constant 0 : i32
    return %c0_i32, %arg0 : i32, i32
  }
  func.func @transform_1(%arg0: i32) -> (i32, i32, i32) {
    %c0_i32 = arith.constant 0 : i32
    %c0_i32_0 = arith.constant 0 : i32
    %c0_i32_1 = arith.constant 0 : i32
    return %c0_i32, %arg0, %c0_i32_0 : i32, i32, i32
  }
  func.func @transform_2(%arg0: i32) -> (i32, i32) {
    %c0_i32 = arith.constant 0 : i32
    %c0_i32_0 = arith.constant 0 : i32
    return %arg0, %c0_i32 : i32, i32
  }
  func.func @transform_3(%arg0: i32) -> (i32, i32) {
    %c0_i32 = arith.constant 0 : i32
    %c0_i32_0 = arith.constant 0 : i32
    %c0_i32_1 = arith.constant 0 : i32
    return %c0_i32, %c0_i32_0 : i32, i32
  }
  func.func @transform_4(%arg0: i32) -> (i32, i32, i32) {
    %c0_i32 = arith.constant 0 : i32
    %c0_i32_0 = arith.constant 0 : i32
    %c0_i32_1 = arith.constant 0 : i32
    return %arg0, %c0_i32, %c0_i32_0 : i32, i32, i32
  }
  func.func @transform_5(%arg0: i32) -> (i32, i32) {
    %c0_i32 = arith.constant 0 : i32
    %c0_i32_0 = arith.constant 0 : i32
    %c0_i32_1 = arith.constant 0 : i32
    return %c0_i32, %c0_i32_0 : i32, i32
  }
  func.func @transform_6(%arg0: i32) -> (i32, i32) {
    %c0_i32 = arith.constant 0 : i32
    %c0_i32_0 = arith.constant 0 : i32
    %c0_i32_1 = arith.constant 0 : i32
    return %c0_i32, %c0_i32_0 : i32, i32
  }
  func.func @transform_7(%arg0: i32) -> (i32, i32) {
    %c0_i32 = arith.constant 0 : i32
    %c0_i32_0 = arith.constant 0 : i32
    %c0_i32_1 = arith.constant 0 : i32
    return %c0_i32, %c0_i32_0 : i32, i32
  }
}

</mosaic_0001>

<sc_bundles>
// kernel: kernel.11.cloned.1.call-start
scs
__scs_entry_jumppad:
0x0: {  	(pc) =	sbr.rel $0x88, $3  }
0x1: {  	(tag) =	ssettag $0x0;
	lr =	simm.s32 $0x1  }
0x2: {  	[smem:$0x3F98] =	sst lr;
	_ =	strace $0xD0000000  }
0x3: {  	_ = 	snop  }
0x4: {  	_ = 	snop  }
0x5: {  	_ = 	snop  }
0x6: {  	_ = 	snop  }
0x7: {  	_ = 	snop  }
__scs_overlays_trampoline_lowered:
0x8: {  	[smem:$0x3FA7] =	sst s0  }
0x9: {  	[smem:$0x3FA8] =	sst s1  }
0xa: {  	[smem:$0x3FA9] =	sst s2  }
0xb: {  	[smem:$0x3FAA] =	sst s3  }
0xc: {  	[smem:$0x3FAB] =	sst s4  }
0xd: {  	[smem:$0x3FAC] =	sst s5  }
0xe: {  	[smem:$0x3FAD] =	sst s6  }
0xf: {  	[smem:$0x3FAE] =	sst s7  }
0x10: {  	[smem:$0x3FAF] =	sst s8  }
0x11: {  	[smem:$0x3FB0] =	sst s9;
	s0 =	simm.s32 @!p0 $0x0  }
0x12: {  	s1 =	sld [smem:$0x3F96];
	s0 =	simm.s32 @p0 $0x1  }
0x13: {  	[smem:$0x3FB1] =	sst s0;
	s0 =	simm.s32 @!p1 $0x0  }
0x14: {  	s2 =	sld [smem:$0x3F95];
	s0 =	simm.s32 @p1 $0x1  }
0x15: {  	[smem:$0x3FB2] =	sst s0;
	s0 =	simm.s32 @!p2 $0x0  }
0x16: {  	s3 =	sld [smem:$0x3FDB];
	s0 =	simm.s32 @p2 $0x1  }
0x17: {  	s4 =	simm.s32 $0x1BF5;
	[smem:$0x3FB4] =	sst s0  }
0x18: {  	s0 =	sld [smem:$0x3F97];
	_ =	swait.ge [sflag:s4], $0x0  }
0x19: {  	s7 =	sld [smem:$0x3F98]  }
0x1a: {  	s8 =	sadd.s32 $0xFFFFE003, lr  }
0x1b: {  	s9 =	sadd.s32 $0xFFFFFEF7, lr;
	s5 =	simm.s32 $0xFFFFFFFF;
	p2 =	slt.u32 s8, $0xFFFFF086  }
0x1c: {  	p1 =	slt.u32 s9, $0xF7A;
	s5 =	simm.s32 @!p2 $0x0  }
0x1d: {  	s5 =	simm.s32 @p1 $0x1;
	p0 =	seq.s32 s7, s2  }
0x1e: {  	s7 =	smul.u32 @!p0 $0xF7A, s2;
	p2 =	seq.s32 @!p0 s5, $0x0  }
0x1f: {  	s9 =	smul.u32 $0xF7A, s1;
	s8 =	simm.s32 @!p0 $0x1BF5;
	p2 =	por !p2, p0  }
0x20: {  	[sflag:s8] =	ssyncset.s32 @!p0 $0xFFFFF086;
	s6 =	sadd.s32 @!p0 s3, s7;
	s7 =	simm.s32 @!p0 $0x108  }
0x21: {  	s3 =	sadd.s32 s3, s9;
	s6 =	sadd.s32 @!p0 $0x88, s6;
	s7 =	simm.s32 @p2 $0x1082  }
0x22: {  	[simem:s7], [sflag:s8] =	dma.local @!p0 [hbm:s6], $0xF7A  }
0x23: {  	s9 =	sor.u32 $0xD0000000, s2;
	s6 =	simm.s32 $0x108;
	_ =	swait.ge @!p0 [sflag:s8], $0x0  }
0x24: {  	s3 =	sadd.s32 $0x88, s3;
	s6 =	simm.s32 @!p1 $0x1082;
	[sflag:s4] =	ssyncset.s32 $0xFFFFF086  }
0x25: {  	[simem:s6], [sflag:s4] =	dma.local [hbm:s3], $0xF7A  }
0x26: {  	[smem:$0x3F98] =	sst s1;
	(tag) =	ssettag s2;
	_ =	strace s9  }
0x27: {  	s1 =	sld [smem:$0x3FA8]  }
0x28: {  	s2 =	sld [smem:$0x3FA9]  }
0x29: {  	s4 =	sld [smem:$0x3FAB]  }
0x2a: {  	p0 =	seq.s32 s5, $0x0;
	s5 =	sld [smem:$0x3FAC]  }
0x2b: {  	s6 =	sld [smem:$0x3FAD]  }
0x2c: {  	s7 =	sld [smem:$0x3FAE]  }
0x2d: {  	s3 =	simm.s32 $0x108;
	s8 =	sld [smem:$0x3FAF]  }
0x2e: {  	s3 =	simm.s32 @!p0 $0x1082;
	s9 =	sld [smem:$0x3FB0]  }
0x2f: {  	lr =	sadd.s32 s0, s3;
	s0 =	sld [smem:$0x3FA7]  }
0x30: {  	s3 =	sld [smem:$0x3FAA]  }
0x31: {  	[smem:$0x3FB3] =	sst s10  }
0x32: {  	s10 =	sld [smem:$0x3FB1];
	_ =	sdelay $0x3  }
0x33: {  	p0 =	seq.s32 s10, $0x1;
	s10 =	sld [smem:$0x3FB3];
	_ =	sdelay $0x3  }
0x34: {  	[smem:$0x3FB3] =	sst s10  }
0x35: {  	s10 =	sld [smem:$0x3FB2];
	_ =	sdelay $0x3  }
0x36: {  	p1 =	seq.s32 s10, $0x1;
	s10 =	sld [smem:$0x3FB3];
	_ =	sdelay $0x3  }
0x37: {  	[smem:$0x3FB3] =	sst s10  }
0x38: {  	s10 =	sld [smem:$0x3FB4]  }
0x39: {  	_ = 	snop;
	(pc) =	sbr.ind lr, $3  }
0x3a: {  	_ = 	snop  }
0x3b: {  	_ = 	snop  }
0x3c: {  	p2 =	seq.s32 s10, $0x1;
	s10 =	sld [smem:$0x3FB3]  }
0x3d: {  	_ =	shalt  }
0x3e: {  	_ =	shalt  }
0x3f: {  	_ =	shalt  }
0x40: {  	_ =	shalt  }
0x41: {  	_ =	shalt  }
0x42: {  	_ =	shalt  }
0x43: {  	_ =	shalt  }
0x44: {  	_ =	shalt  }
0x45: {  	_ =	shalt  }
0x46: {  	_ =	shalt  }
0x47: {  	_ =	shalt  }
0x48: {  	_ =	shalt  }
0x49: {  	_ =	shalt  }
0x4a: {  	_ =	shalt  }
0x4b: {  	_ =	shalt  }
0x4c: {  	_ =	shalt  }
0x4d: {  	_ =	shalt  }
0x4e: {  	_ =	shalt  }
0x4f: {  	_ =	shalt  }
0x50: {  	_ =	shalt  }
0x51: {  	_ =	shalt  }
0x52: {  	_ =	shalt  }
0x53: {  	_ =	shalt  }
0x54: {  	_ =	shalt  }
0x55: {  	_ =	shalt  }
0x56: {  	_ =	shalt  }
0x57: {  	_ =	shalt  }
0x58: {  	_ =	shalt  }
0x59: {  	_ =	shalt  }
0x5a: {  	_ =	shalt  }
0x5b: {  	_ =	shalt  }
0x5c: {  	_ =	shalt  }
0x5d: {  	_ =	shalt  }
0x5e: {  	_ =	shalt  }
0x5f: {  	_ =	shalt  }
0x60: {  	_ =	shalt  }
0x61: {  	_ =	shalt  }
0x62: {  	_ =	shalt  }
0x63: {  	_ =	shalt  }
0x64: {  	_ =	shalt  }
0x65: {  	_ =	shalt  }
0x66: {  	_ =	shalt  }
0x67: {  	_ =	shalt  }
0x68: {  	_ =	shalt  }
0x69: {  	_ =	shalt  }
0x6a: {  	_ =	shalt  }
0x6b: {  	_ =	shalt  }
0x6c: {  	_ =	shalt  }
0x6d: {  	_ =	shalt  }
0x6e: {  	_ =	shalt  }
0x6f: {  	_ =	shalt  }
0x70: {  	_ =	shalt  }
0x71: {  	_ =	shalt  }
0x72: {  	_ =	shalt  }
0x73: {  	_ =	shalt  }
0x74: {  	_ =	shalt  }
0x75: {  	_ =	shalt  }
0x76: {  	_ =	shalt  }
0x77: {  	_ =	shalt  }
0x78: {  	_ =	shalt  }
0x79: {  	_ =	shalt  }
0x7a: {  	_ =	shalt  }
0x7b: {  	_ =	shalt  }
0x7c: {  	_ =	shalt  }
0x7d: {  	_ =	shalt  }
0x7e: {  	_ =	shalt  }
0x7f: {  	_ =	shalt  }
0x80: {  	_ =	shalt  }
0x81: {  	_ =	shalt  }
0x82: {  	_ =	shalt  }
0x83: {  	_ =	shalt  }
0x84: {  	_ =	shalt  }
0x85: {  	_ =	shalt  }
0x86: {  	_ =	shalt  }
0x87: {  	_ =	shalt  }
.Lfunc_end0:
.L_simem_size_0:
called_computation.1_lowered:
.L_overlay_start_0:
0x88: {  	s2 =	sld [smem:$0x3FD9]  }
0x89: {  	s3 =	sld [smem:$0x3FFE];
	_ =	sdelay $0x1  }
0x8a: {  	s1 =	srdreg.scid  }
0x8b: {  	s0 =	sand.u32 $0x1, s1  }
0x8c: {  	s16 =	sshll.u32 s0, $0xA;
	s2 =	sadd.s32 s3, s2  }
0x8d: {  	s2 =	sadd.s32 s2, s16  }
0x8e: {  	[smem:$0x3FBF] =	sst s2  }
0x8f: {  	_ = 	snop  }
0x90: {  	(tm) =	ssettm $0x1  }
0x91: {  	s17 =	sld [smem:$0x3FFB];
	_ =	sdelay $0x3  }
0x92: {  	_ =	strace s17  }
0x93: {  	s2 =	sld [smem:$0x3FFC];
	_ =	sdelay $0x3  }
0x94: {  	_ =	strace s2  }
0x95: {  	s2 =	sld [smem:$0x3FFD];
	_ =	sdelay $0x3  }
0x96: {  	_ =	strace s2  }
0x97: {  	_ =	strace $0x8FFFFFFF  }
0x98: {  	s18 =	sld [smem:$0x3FDB];
	_ =	sdelay $0x1  }
0x99: {  	s19 =	simm.s32 $_scs_section_size  }
0x9a: {  	s4 =	simm.s32 $_size__tile_overlayer_lowered;
	s5 =	simm.s32 $_tile_overlayer_lowered  }
0x9b: {  	s22 =	simm.s32 $0x1BFF;
	s21 =	sshll.u32 s5, $0x1;
	s2 =	sadd.s32 s19, s18  }
0x9c: {  	s6 =	simm.s32 $0x0;
	s20 =	sshll.u32 s4, $0x1;
	s4 =	sadd.s32 s21, s2  }
0x9d: {  	[timem:s6], [sflag:s22] =	dma.local [hbm:s4], s20  }
0x9e: {  	_ =	swait.ge [sflag:s22], s20  }
0x9f: {  	s3 =	ssub.s32 $0x0, s20;
	[sflag:s22] =	ssyncset.done $0x0  }
0xa0: {  	[sflag:s22] =	ssyncadd.s32 s3;
	_ =	sdelay $0x1  }
0xa1: {  	s23 =	simm.s32 $0x1B8B  }
0xa2: {  	_ =	swait.ge [sflag:s23], $0x1  }
0xa3: {  	[sflag:s23] =	ssyncset.done $0x0  }
0xa4: {  	s25 =	simm.s32 $0x1B8E;
	s24 =	sld [smem:$0x3FFE];
	[sflag:s23] =	ssyncadd.s32 $0xFFFFFFFF  }
0xa5: {  	s26 =	simm.s32 $execute0_lowered;
	[smem:$0x3FD2] =	sst s25  }
0xa6: {  	s4 =	sshll.u32 s26, $0x1;
	_ =	strace $0x80000049;
	[dreg:$0x1] =	wrdreg $0xFFFFFFFF  }
0xa7: {  	s28 =	simm.s32 $_size_execute0_lowered;
	s2 =	sadd.s32 s2, s4;
	[dreg:$0x0] =	wrdreg $0x0  }
0xa8: {  	s4 =	sshll.u32 s28, $0x1;
	[dreg:$0x2] =	wrdreg s2  }
0xa9: {  	[dreg:$0x3] =	wrdreg s4  }
0xaa: {  	[dreg:$0x4] =	wrdreg $0xC0  }
0xab: {  	_ =	task [dreg:s6], $0x5FFFF  }
0xac: {  	[dreg:$0x1] =	wrdreg $0xFFFFFFFF  }
0xad: {  	[dreg:$0x0] =	wrdreg $0x60  }
0xae: {  	[dreg:$0x2] =	wrdreg s24  }
0xaf: {  	[dreg:$0x3] =	wrdreg $0x7F000  }
0xb0: {  	[dreg:$0x4] =	wrdreg $0x9  }
0xb1: {  	_ =	task.clear_ibuf [dreg:s6], $0x5FFFF;
	_ =	strace $0x90000049  }
0xb2: {  	s29 =	simm.s32 $0x9;
	_ =	strace $0x8000004B  }
0xb3: {  	_ =	swait.ge [sflag:s29], $0x1  }
0xb4: {  	[sflag:s29] =	ssyncadd.s32 $0xFFFFFFFF  }
0xb5: {  	_ =	strace $0x9000004B  }
0xb6: {  	_ =	sfence  }
0xb7: {  	s30 =	sld [smem:$0x0];
	_ =	sdelay $0x2  }
0xb8: {  	s31 =	sshll.u32 s1, $0xD;
	s1 =	sshrl.u32 s1, $0x2  }
0xb9: {  	s3 =	sand.u32 $0x4000, s31;
	s1 =	sadd.s32 s1, s30  }
0xba: {  	s0 =	sor.u32 s3, s0;
	s1 =	sshll.u32 s1, $0x11  }
0xbb: {  	s0 =	sor.u32 s1, s0  }
0xbc: {  	s0 =	sadd.s32 $0x8F2B, s0  }
0xbd: {  	[sflag:s0] =	ssyncadd.remote.s32 $0x1  }
0xbe: {  	_ =	sfence.sel $0xFFFF  }
0xbf: {  	[dreg:$0x0] =	wrdreg $0xFFFFFFFF;
	(pc) =	sbr.abs _section_cstart, $3  }
0xc0: {  	[dreg:$0x1] =	wrdreg $0xFFFFFFFF  }
0xc1: {  	_ =	task.clear_ibuf [dreg:s6], $0x2FFFF;
	_ =	strace $0x9FFFFFFF  }
0xc2: {  	(tm) =	ssettm $0x7FFFFFFF  }
0xc3: {  	_ =	shalt  }
tec
execute0_lowered:
.L_overlay_start_1:
0x0: {  	(tag) =	ssettag $0x1  }
0x1: {  	s0 =	rddreg [dreg:$0x0];
	s1 =	srdreg.scid  }
0x2: {  	s9 =	stileid.u32;
	s2 =	rddreg [dreg:$0x1]  }
0x3: {  	s3 =	simm.s32 $0x0;
	s29 =	simm.s32 $0x1;
	s31 =	simm.s32 $0x6F00  }
0x4: {  	s30 =	simm.s32 $0x0;
	s1 =	sand.u32 $0x1, s1;
	s8 =	smul.u32 $0x28000, s9  }
0x5: {  	s4 =	sshll.u32 s9, $0x1;
	[smem:$0x7FF] =	sst s3;
	s18 =	smul.u32 $0xA000, s9  }
0x6: {  	s4 =	sor.u32 s1, s4;
	s6 =	ssub.s32 $0x2, s1;
	s1 =	smul.u32 $0xA0000, s1  }
0x7: {  	_ =	strace $0x8000004A;
	s5 =	smul.u32 $0x4F0, s4;
	s4 =	sadd.s32 $0x16000, s0  }
0x8: {  	s7 =	sshrl.u32 s6, $0x1;
	s19 =	sshrl.u32 s8, $0x2;
	s20 =	sadd.s32 s18, s2  }
0x9: {  	s22 =	sadd.s32 $0x2000, s18;
	s9 =	sadd.s32 $0x4000, s18;
	s24 =	sadd.s32 $0x6000, s18  }
0xa: {  	s25 =	sadd.s32 $0x8000, s18;
	s6 =	ssub.s32 s6, s7;
	s7 =	sadd.s32 s19, s2  }
0xb: {  	[dreg:$0x5] =	wrdreg s20;
	s8 =	sadd.s32 s1, s18;
	s16 =	sadd.s32 s1, s22  }
0xc: {  	s19 =	sadd.s32 s1, s9;
	s26 =	sadd.s32 s1, s24;
	s1 =	sadd.s32 s1, s25  }
0xd: {  	s22 =	sadd.s32 s22, s2;
	s24 =	sadd.s32 s24, s2;
	s25 =	sadd.s32 s25, s2  }
0xe: {  	s5 =	sadd.s32 s5, s0;
	s0 =	sadd.s32 $0x2A000, s0;
	s21 =	smax.u32 s6, $0x1  }
0xf: {  	s10 =	sadd.s32 $0x1000, s7;
	s11 =	sadd.s32 $0x2000, s7;
	s12 =	sadd.s32 $0x3000, s7  }
0x10: {  	s13 =	sadd.s32 $0x4000, s7;
	s14 =	sadd.s32 $0x5000, s7;
	s15 =	sadd.s32 $0x6000, s7  }
0x11: {  	s6 =	sshrl.u32 s8, $0x3;
	s23 =	sshrl.u32 s19, $0x3;
	s19 =	sshrl.u32 s26, $0x3  }
0x12: {  	s1 =	sshrl.u32 s1, $0x3;
	s26 =	sadd.s32 $0x8000, s7;
	s28 =	sadd.s32 $0x9000, s7  }
0x13: {  	s17 =	sadd.s32 $0xC200, s5;
	s5 =	sadd.s32 $0x1A00, s5;
	[dreg:$0x6] =	wrdreg s21  }
0x14: {  	s18 =	sadd.s32 s0, s23;
	s19 =	sadd.s32 s0, s19;
	s20 =	sadd.s32 s0, s1  }
0x15: {  	s21 =	sadd.s32 $0x7000, s7;
	s23 =	sadd.s32 s9, s2;
	[dreg:$0x3] =	wrdreg s17  }
0x16: {  	s1 =	simm.s32 $0x80;
	[dreg:$0x4] =	wrdreg s5;
	s17 =	sshrl.u32 s16, $0x3  }
0x17: {  	v0 =	vimm.f32 $0.0e+00;
	s16 =	sadd.s32 s0, s6;
	s17 =	sadd.s32 s0, s17;
	s0 =	simm.s32 $0x4F00  }
.LBB2_1:
0x18: {  	s5 =	rddreg [dreg:$0x3]  }
0x19: {  	[tilespmem:s3], [sflag:$0x1] =	stream.linear.gather [hbm4b:s5+s3], $0x2780, $0x38;
	[tilespmem:$0x11F00] =	vst v63  }
0x1a: {  	_ =	swait.ge [sflag:s29], $0x2780  }
0x1b: {  	[sflag:s29] =	ssyncset.done $0x0  }
0x1c: {  	s6 =	simm.s32 $0x2780;
	s9 =	rddreg [dreg:$0x4];
	[sflag:s29] =	ssyncadd.s32 $0xFFFFD880  }
0x1d: {  	[tilespmem:s6], [sflag:$0x1] =	stream.linear.gather [hbm4b:s9+s3], $0x2780, $0x38;
	[tilespmem:$0x11F00] =	vst v63  }
0x1e: {  	_ =	swait.ge [sflag:s29], $0x2780  }
0x1f: {  	[sflag:s29] =	ssyncset.done $0x0  }
0x20: {  	s5 =	simm.s32 $0x0;
	s6 =	simm.s32 $0x100;
	[sflag:s29] =	ssyncadd.s32 $0xFFFFD880  }
.LBB2_2:
0x21: {  	p0 =	sne.s32 s6, $0x3F00;
	[tilespmem:s5+$0x6F30] =	vst v0;
	s8 =	smov.u32 s6;
	s6 =	sadd.s32 $0x100, s6  }
.Ltmp0:
0x22: {  	[tilespmem:s5+$0x6F20] =	vst v0;
	(pc) =	sbr.rel @p0 .LBB2_2-.Ltmp0, $3  }
0x23: {  	[tilespmem:s5+$0x6F00] =	vst v0  }
0x24: {  	[tilespmem:s5+$0x6F10] =	vst v0;
	_ =	sdelay $0x1  }
0x25: {  	s5 =	sshra.s32 s8, $0x2  }
0x26: {  	[tilespmem:s5+$0x6F30] =	vst v0  }
0x27: {  	[tilespmem:s5+$0x6F20] =	vst v0  }
0x28: {  	[tilespmem:s5+$0x6F00] =	vst v0  }
0x29: {  	[tilespmem:s5+$0x6F10] =	vst v0  }
0x2a: {  	[spmem:s7] =	stream.linear.scatter [tilespmem:s31], [sflag:$0x1], $0x1000, $0x38;
	[tilespmem:$0x11F00] =	vst v63  }
0x2b: {  	_ =	swait.ge [sflag:s29], $0x1000  }
0x2c: {  	[sflag:s29] =	ssyncset.done $0x0  }
0x2d: {  	[sflag:s29] =	ssyncadd.s32 $0xFFFFF000  }
0x2e: {  	[spmem:s10] =	stream.linear.scatter [tilespmem:s31], [sflag:$0x1], $0x1000, $0x38;
	[tilespmem:$0x11F00] =	vst v63  }
0x2f: {  	_ =	swait.ge [sflag:s29], $0x1000  }
0x30: {  	[sflag:s29] =	ssyncset.done $0x0  }
0x31: {  	[sflag:s29] =	ssyncadd.s32 $0xFFFFF000  }
0x32: {  	[spmem:s11] =	stream.linear.scatter [tilespmem:s31], [sflag:$0x1], $0x1000, $0x38;
	[tilespmem:$0x11F00] =	vst v63  }
0x33: {  	_ =	swait.ge [sflag:s29], $0x1000  }
0x34: {  	[sflag:s29] =	ssyncset.done $0x0  }
0x35: {  	[sflag:s29] =	ssyncadd.s32 $0xFFFFF000  }
0x36: {  	[spmem:s12] =	stream.linear.scatter [tilespmem:s31], [sflag:$0x1], $0x1000, $0x38;
	[tilespmem:$0x11F00] =	vst v63  }
0x37: {  	_ =	swait.ge [sflag:s29], $0x1000  }
0x38: {  	[sflag:s29] =	ssyncset.done $0x0  }
0x39: {  	[sflag:s29] =	ssyncadd.s32 $0xFFFFF000  }
0x3a: {  	[spmem:s13] =	stream.linear.scatter [tilespmem:s31], [sflag:$0x1], $0x1000, $0x38;
	[tilespmem:$0x11F00] =	vst v63  }
0x3b: {  	_ =	swait.ge [sflag:s29], $0x1000  }
0x3c: {  	[sflag:s29] =	ssyncset.done $0x0  }
0x3d: {  	[sflag:s29] =	ssyncadd.s32 $0xFFFFF000  }
0x3e: {  	[spmem:s14] =	stream.linear.scatter [tilespmem:s31], [sflag:$0x1], $0x1000, $0x38;
	[tilespmem:$0x11F00] =	vst v63  }
0x3f: {  	_ =	swait.ge [sflag:s29], $0x1000  }
0x40: {  	[sflag:s29] =	ssyncset.done $0x0  }
0x41: {  	[sflag:s29] =	ssyncadd.s32 $0xFFFFF000  }
0x42: {  	[spmem:s15] =	stream.linear.scatter [tilespmem:s31], [sflag:$0x1], $0x1000, $0x38;
	[tilespmem:$0x11F00] =	vst v63  }
0x43: {  	_ =	swait.ge [sflag:s29], $0x1000  }
0x44: {  	[sflag:s29] =	ssyncset.done $0x0  }
0x45: {  	[sflag:s29] =	ssyncadd.s32 $0xFFFFF000  }
0x46: {  	[spmem:s21] =	stream.linear.scatter [tilespmem:s31], [sflag:$0x1], $0x1000, $0x38;
	[tilespmem:$0x11F00] =	vst v63  }
0x47: {  	_ =	swait.ge [sflag:s29], $0x1000  }
0x48: {  	[sflag:s29] =	ssyncset.done $0x0  }
0x49: {  	[sflag:s29] =	ssyncadd.s32 $0xFFFFF000  }
0x4a: {  	[spmem:s26] =	stream.linear.scatter [tilespmem:s31], [sflag:$0x1], $0x1000, $0x38;
	[tilespmem:$0x11F00] =	vst v63  }
0x4b: {  	_ =	swait.ge [sflag:s29], $0x1000  }
0x4c: {  	[sflag:s29] =	ssyncset.done $0x0  }
0x4d: {  	[sflag:s29] =	ssyncadd.s32 $0xFFFFF000  }
0x4e: {  	[spmem:s28] =	stream.linear.scatter [tilespmem:s31], [sflag:$0x1], $0x1000, $0x38;
	[tilespmem:$0x11F00] =	vst v63  }
0x4f: {  	_ =	swait.ge [sflag:s29], $0x1000  }
0x50: {  	[sflag:s29] =	ssyncset.done $0x0  }
0x51: {  	[sflag:s29] =	ssyncadd.s32 $0xFFFFF000  }
0x52: {  	s8 =	simm.s32 $0x0;
	[bflag:$0x0] =	sbarrier.arrive $0xFFFF  }
0x53: {  	[tilespmem:s0], [sflag:$0x1] =	stream.indirect.gather [hbm4b:s4+s1], $0x40, s8, s1, $0xb8;
	[tilespmem:$0x11F00] =	vst v63  }
0x54: {  	_ =	swait.ge [sflag:s29], $0x2000  }
0x55: {  	[sflag:s29] =	ssyncset.done $0x0  }
0x56: {  	s9 =	simm.s32 $0x2780;
	[sflag:s29] =	ssyncadd.s32 $0xFFFFE000  }
0x57: {  	[spmem:s2] =	stream.indirect.scatter.add.f32 [tilespmem:s0], [sflag:$0x1], $0x40, s9, s1, $0xb8;
	[tilespmem:$0x11F00] =	vst v63  }
0x58: {  	_ =	swait.ge [sflag:s29], $0x2000  }
0x59: {  	s5 =	simm.s32 $0x200;
	s6 =	simm.s32 $0x400;
	[sflag:s29] =	ssyncset.done $0x0  }
.LBB2_4:
0x5a: {  	s8 =	sshra.s32 s5, $0x2  }
0x5b: {  	[sflag:s29] =	ssyncadd.s32 $0xFFFFE000;
	s5 =	smov.u32 s6;
	s9 =	sadd.s32 $0x200, s6  }
0x5c: {  	[tilespmem:s0], [sflag:$0x1] =	stream.indirect.gather [hbm4b:s4+s1], $0x40, s8, s1, $0xb8;
	[tilespmem:$0x11F00] =	vst v63  }
0x5d: {  	p0 =	sne.s32 s6, $0x9C00;
	_ =	swait.ge [sflag:s29], $0x2000  }
.Ltmp1:
0x5e: {  	[sflag:s29] =	ssyncset.done $0x0;
	(pc) =	sbr.rel @p0 .LBB2_4-.Ltmp1, $4  }
0x5f: {  	s6 =	sadd.s32 $0x2780, s8;
	[sflag:s29] =	ssyncadd.s32 $0xFFFFE000  }
0x60: {  	[spmem:s2] =	stream.indirect.scatter.add.f32 [tilespmem:s0], [sflag:$0x1], $0x40, s6, s1, $0xb8;
	[tilespmem:$0x11F00] =	vst v63  }
0x61: {  	_ =	swait.ge [sflag:s29], $0x2000  }
0x62: {  	s6 =	smov.u32 s9;
	[sflag:s29] =	ssyncset.done $0x0  }
0x63: {  	s5 =	sshra.s32 s5, $0x2;
	[sflag:s29] =	ssyncadd.s32 $0xFFFFE000  }
0x64: {  	[tilespmem:s0], [sflag:$0x1] =	stream.indirect.gather [hbm4b:s4+s1], $0x40, s5, s1, $0xb8;
	[tilespmem:$0x11F00] =	vst v63  }
0x65: {  	_ =	swait.ge [sflag:s29], $0x2000  }
0x66: {  	[sflag:s29] =	ssyncset.done $0x0  }
0x67: {  	s5 =	sadd.s32 $0x2780, s5;
	[sflag:s29] =	ssyncadd.s32 $0xFFFFE000  }
0x68: {  	[spmem:s2] =	stream.indirect.scatter.add.f32 [tilespmem:s0], [sflag:$0x1], $0x40, s5, s1, $0xb8;
	[tilespmem:$0x11F00] =	vst v63  }
0x69: {  	_ =	swait.ge [sflag:s29], $0x2000  }
0x6a: {  	[sflag:s29] =	ssyncset.done $0x0  }
0x6b: {  	[sflag:s29] =	ssyncadd.s32 $0xFFFFE000  }
0x6c: {  	[bflag:$0x0] =	sbarrier.arrive $0xFFFF  }
0x6d: {  	s8 =	rddreg [dreg:$0x5]  }
0x6e: {  	[tilespmem:s0], [sflag:$0x1] =	stream.linear.gather [spmem:s8], $0x2000, $0x38;
	[tilespmem:$0x11F00] =	vst v63  }
0x6f: {  	_ =	swait.ge [sflag:s29], $0x2000  }
0x70: {  	[sflag:s29] =	ssyncset.done $0x0  }
0x71: {  	[sflag:s29] =	ssyncadd.s32 $0xFFFFE000  }
0x72: {  	[hbm4b:s16+s3] =	stream.linear.scatter [tilespmem:s0], [sflag:$0x1], $0x2000, $0x38;
	[tilespmem:$0x11F00] =	vst v63  }
0x73: {  	_ =	swait.ge [sflag:s29], $0x2000  }
0x74: {  	[sflag:s29] =	ssyncset.done $0x0  }
0x75: {  	[sflag:s29] =	ssyncadd.s32 $0xFFFFE000  }
0x76: {  	[tilespmem:s0], [sflag:$0x1] =	stream.linear.gather [spmem:s22], $0x2000, $0x38;
	[tilespmem:$0x11F00] =	vst v63  }
0x77: {  	_ =	swait.ge [sflag:s29], $0x2000  }
0x78: {  	[sflag:s29] =	ssyncset.done $0x0  }
0x79: {  	[sflag:s29] =	ssyncadd.s32 $0xFFFFE000  }
0x7a: {  	[hbm4b:s17+s3] =	stream.linear.scatter [tilespmem:s0], [sflag:$0x1], $0x2000, $0x38;
	[tilespmem:$0x11F00] =	vst v63  }
0x7b: {  	_ =	swait.ge [sflag:s29], $0x2000  }
0x7c: {  	[sflag:s29] =	ssyncset.done $0x0  }
0x7d: {  	[sflag:s29] =	ssyncadd.s32 $0xFFFFE000  }
0x7e: {  	[tilespmem:s0], [sflag:$0x1] =	stream.linear.gather [spmem:s23], $0x2000, $0x38;
	[tilespmem:$0x11F00] =	vst v63  }
0x7f: {  	_ =	swait.ge [sflag:s29], $0x2000  }
0x80: {  	[sflag:s29] =	ssyncset.done $0x0  }
0x81: {  	[sflag:s29] =	ssyncadd.s32 $0xFFFFE000  }
0x82: {  	[hbm4b:s18+s3] =	stream.linear.scatter [tilespmem:s0], [sflag:$0x1], $0x2000, $0x38;
	[tilespmem:$0x11F00] =	vst v63  }
0x83: {  	_ =	swait.ge [sflag:s29], $0x2000  }
0x84: {  	[sflag:s29] =	ssyncset.done $0x0  }
0x85: {  	[sflag:s29] =	ssyncadd.s32 $0xFFFFE000  }
0x86: {  	[tilespmem:s0], [sflag:$0x1] =	stream.linear.gather [spmem:s24], $0x2000, $0x38;
	[tilespmem:$0x11F00] =	vst v63  }
0x87: {  	_ =	swait.ge [sflag:s29], $0x2000  }
0x88: {  	[sflag:s29] =	ssyncset.done $0x0  }
0x89: {  	[sflag:s29] =	ssyncadd.s32 $0xFFFFE000  }
0x8a: {  	[hbm4b:s19+s3] =	stream.linear.scatter [tilespmem:s0], [sflag:$0x1], $0x2000, $0x38;
	[tilespmem:$0x11F00] =	vst v63  }
0x8b: {  	_ =	swait.ge [sflag:s29], $0x2000  }
0x8c: {  	[sflag:s29] =	ssyncset.done $0x0  }
0x8d: {  	[sflag:s29] =	ssyncadd.s32 $0xFFFFE000  }
0x8e: {  	[tilespmem:s0], [sflag:$0x1] =	stream.linear.gather [spmem:s25], $0x2000, $0x38;
	[tilespmem:$0x11F00] =	vst v63  }
0x8f: {  	_ =	swait.ge [sflag:s29], $0x2000  }
0x90: {  	[sflag:s29] =	ssyncset.done $0x0  }
0x91: {  	[sflag:s29] =	ssyncadd.s32 $0xFFFFE000  }
0x92: {  	[hbm4b:s20+s3] =	stream.linear.scatter [tilespmem:s0], [sflag:$0x1], $0x2000, $0x38;
	[tilespmem:$0x11F00] =	vst v63  }
0x93: {  	_ =	swait.ge [sflag:s29], $0x2000  }
0x94: {  	s30 =	sadd.s32 $0x1, s30;
	s9 =	rddreg [dreg:$0x6]  }
0x95: {  	p0 =	sne.s32 s30, s9  }
.Ltmp2:
0x96: {  	_ = 	snop;
	(pc) =	sbr.rel @p0 .LBB2_1-.Ltmp2, $3  }
0x97: {  	_ =	sdelay $0x1  }
0x98: {  	[sflag:s29] =	ssyncset.done $0x0  }
0x99: {  	[sflag:s29] =	ssyncadd.s32 $0xFFFFE000  }
0x9a: {  	_ =	sfence.sel $0x180000  }
0x9b: {  	[bflag:$0x0] =	sbarrier.arrive $0xFFFF  }
0x9c: {  	_ =	strace $0x9000004A  }
0x9d: {  	s0 =	stileid.u32;
	[bflag:$0x2] =	sbarrier.arrive $0xFFFF  }
0x9e: {  	p0 =	sne.s32 s0, $0x0;
	s0 =	rddreg [dreg:$0x2]  }
0x9f: {  	s0 =	sadd.s32 @!p0 $0x100000, s0  }
0xa0: {  	[sflag:s0] =	ssyncadd.tile.s32 @!p0 $0x1;
	_ =	shalt  }
.Lfunc_end2:
_tile_overlayer_lowered:
.L_overlay_start_2:
0xa1: {  	(tag) =	ssettag $0x2  }
0xa2: {  	s0 =	rddreg [dreg:$0x0];
	s2 =	stileid.u32  }
0xa3: {  	s1 =	rddreg [dreg:$0x1];
	p0 =	sne.s32 s2, $0x0  }
0xa4: {  	s3 =	rddreg [dreg:$0x2];
	[bflag:$0x3] =	sbarrier.arrive $0xFFFF;
	s2 =	simm.s32 @!p0 $0x1C01  }
0xa5: {  	[timem:s3], [sflag:s2] =	dma.local @!p0 [hbm:s0], s1  }
0xa6: {  	s0 =	simm.s32 @!p0 $0x1  }
0xa7: {  	_ =	swait.ge @!p0 [sflag:s0], s1  }
0xa8: {  	s1 =	ssub.s32 @!p0 $0x0, s1;
	[sflag:s0] =	ssyncset.done @!p0 $0x0  }
0xa9: {  	[sflag:s0] =	ssyncadd.s32 @!p0 s1  }
0xaa: {  	[bflag:$0x3] =	sbarrier.arrive $0xFFFF  }
0xab: {  	_ =	shalt  }

// kernel: kernel.14.cloned.1.call-start
scs
__scs_entry_jumppad:
0x0: {  	(pc) =	sbr.rel $0x88, $3  }
0x1: {  	(tag) =	ssettag $0x0;
	lr =	simm.s32 $0x1  }
0x2: {  	[smem:$0x3F98] =	sst lr;
	_ =	strace $0xD0000000  }
0x3: {  	_ = 	snop  }
0x4: {  	_ = 	snop  }
0x5: {  	_ = 	snop  }
0x6: {  	_ = 	snop  }
0x7: {  	_ = 	snop  }
__scs_overlays_trampoline_lowered:
0x8: {  	[smem:$0x3FA7] =	sst s0  }
0x9: {  	[smem:$0x3FA8] =	sst s1  }
0xa: {  	[smem:$0x3FA9] =	sst s2  }
0xb: {  	[smem:$0x3FAA] =	sst s3  }
0xc: {  	[smem:$0x3FAB] =	sst s4  }
0xd: {  	[smem:$0x3FAC] =	sst s5  }
0xe: {  	[smem:$0x3FAD] =	sst s6  }
0xf: {  	[smem:$0x3FAE] =	sst s7  }
0x10: {  	[smem:$0x3FAF] =	sst s8  }
0x11: {  	[smem:$0x3FB0] =	sst s9;
	s0 =	simm.s32 @!p0 $0x0  }
0x12: {  	s1 =	sld [smem:$0x3F96];
	s0 =	simm.s32 @p0 $0x1  }
0x13: {  	[smem:$0x3FB1] =	sst s0;
	s0 =	simm.s32 @!p1 $0x0  }
0x14: {  	s2 =	sld [smem:$0x3F95];
	s0 =	simm.s32 @p1 $0x1  }
0x15: {  	[smem:$0x3FB2] =	sst s0;
	s0 =	simm.s32 @!p2 $0x0  }
0x16: {  	s3 =	sld [smem:$0x3FDB];
	s0 =	simm.s32 @p2 $0x1  }
0x17: {  	s4 =	simm.s32 $0x1BF5;
	[smem:$0x3FB4] =	sst s0  }
0x18: {  	s0 =	sld [smem:$0x3F97];
	_ =	swait.ge [sflag:s4], $0x0  }
0x19: {  	s7 =	sld [smem:$0x3F98]  }
0x1a: {  	s8 =	sadd.s32 $0xFFFFE003, lr  }
0x1b: {  	s9 =	sadd.s32 $0xFFFFFEF7, lr;
	s5 =	simm.s32 $0xFFFFFFFF;
	p2 =	slt.u32 s8, $0xFFFFF086  }
0x1c: {  	p1 =	slt.u32 s9, $0xF7A;
	s5 =	simm.s32 @!p2 $0x0  }
0x1d: {  	s5 =	simm.s32 @p1 $0x1;
	p0 =	seq.s32 s7, s2  }
0x1e: {  	s7 =	smul.u32 @!p0 $0xF7A, s2;
	p2 =	seq.s32 @!p0 s5, $0x0  }
0x1f: {  	s9 =	smul.u32 $0xF7A, s1;
	s8 =	simm.s32 @!p0 $0x1BF5;
	p2 =	por !p2, p0  }
0x20: {  	[sflag:s8] =	ssyncset.s32 @!p0 $0xFFFFF086;
	s6 =	sadd.s32 @!p0 s3, s7;
	s7 =	simm.s32 @!p0 $0x108  }
0x21: {  	s3 =	sadd.s32 s3, s9;
	s6 =	sadd.s32 @!p0 $0x88, s6;
	s7 =	simm.s32 @p2 $0x1082  }
0x22: {  	[simem:s7], [sflag:s8] =	dma.local @!p0 [hbm:s6], $0xF7A  }
0x23: {  	s9 =	sor.u32 $0xD0000000, s2;
	s6 =	simm.s32 $0x108;
	_ =	swait.ge @!p0 [sflag:s8], $0x0  }
0x24: {  	s3 =	sadd.s32 $0x88, s3;
	s6 =	simm.s32 @!p1 $0x1082;
	[sflag:s4] =	ssyncset.s32 $0xFFFFF086  }
0x25: {  	[simem:s6], [sflag:s4] =	dma.local [hbm:s3], $0xF7A  }
0x26: {  	[smem:$0x3F98] =	sst s1;
	(tag) =	ssettag s2;
	_ =	strace s9  }
0x27: {  	s1 =	sld [smem:$0x3FA8]  }
0x28: {  	s2 =	sld [smem:$0x3FA9]  }
0x29: {  	s4 =	sld [smem:$0x3FAB]  }
0x2a: {  	p0 =	seq.s32 s5, $0x0;
	s5 =	sld [smem:$0x3FAC]  }
0x2b: {  	s6 =	sld [smem:$0x3FAD]  }
0x2c: {  	s7 =	sld [smem:$0x3FAE]  }
0x2d: {  	s3 =	simm.s32 $0x108;
	s8 =	sld [smem:$0x3FAF]  }
0x2e: {  	s3 =	simm.s32 @!p0 $0x1082;
	s9 =	sld [smem:$0x3FB0]  }
0x2f: {  	lr =	sadd.s32 s0, s3;
	s0 =	sld [smem:$0x3FA7]  }
0x30: {  	s3 =	sld [smem:$0x3FAA]  }
0x31: {  	[smem:$0x3FB3] =	sst s10  }
0x32: {  	s10 =	sld [smem:$0x3FB1];
	_ =	sdelay $0x3  }
0x33: {  	p0 =	seq.s32 s10, $0x1;
	s10 =	sld [smem:$0x3FB3];
	_ =	sdelay $0x3  }
0x34: {  	[smem:$0x3FB3] =	sst s10  }
0x35: {  	s10 =	sld [smem:$0x3FB2];
	_ =	sdelay $0x3  }
0x36: {  	p1 =	seq.s32 s10, $0x1;
	s10 =	sld [smem:$0x3FB3];
	_ =	sdelay $0x3  }
0x37: {  	[smem:$0x3FB3] =	sst s10  }
0x38: {  	s10 =	sld [smem:$0x3FB4]  }
0x39: {  	_ = 	snop;
	(pc) =	sbr.ind lr, $3  }
0x3a: {  	_ = 	snop  }
0x3b: {  	_ = 	snop  }
0x3c: {  	p2 =	seq.s32 s10, $0x1;
	s10 =	sld [smem:$0x3FB3]  }
0x3d: {  	_ =	shalt  }
0x3e: {  	_ =	shalt  }
0x3f: {  	_ =	shalt  }
0x40: {  	_ =	shalt  }
0x41: {  	_ =	shalt  }
0x42: {  	_ =	shalt  }
0x43: {  	_ =	shalt  }
0x44: {  	_ =	shalt  }
0x45: {  	_ =	shalt  }
0x46: {  	_ =	shalt  }
0x47: {  	_ =	shalt  }
0x48: {  	_ =	shalt  }
0x49: {  	_ =	shalt  }
0x4a: {  	_ =	shalt  }
0x4b: {  	_ =	shalt  }
0x4c: {  	_ =	shalt  }
0x4d: {  	_ =	shalt  }
0x4e: {  	_ =	shalt  }
0x4f: {  	_ =	shalt  }
0x50: {  	_ =	shalt  }
0x51: {  	_ =	shalt  }
0x52: {  	_ =	shalt  }
0x53: {  	_ =	shalt  }
0x54: {  	_ =	shalt  }
0x55: {  	_ =	shalt  }
0x56: {  	_ =	shalt  }
0x57: {  	_ =	shalt  }
0x58: {  	_ =	shalt  }
0x59: {  	_ =	shalt  }
0x5a: {  	_ =	shalt  }
0x5b: {  	_ =	shalt  }
0x5c: {  	_ =	shalt  }
0x5d: {  	_ =	shalt  }
0x5e: {  	_ =	shalt  }
0x5f: {  	_ =	shalt  }
0x60: {  	_ =	shalt  }
0x61: {  	_ =	shalt  }
0x62: {  	_ =	shalt  }
0x63: {  	_ =	shalt  }
0x64: {  	_ =	shalt  }
0x65: {  	_ =	shalt  }
0x66: {  	_ =	shalt  }
0x67: {  	_ =	shalt  }
0x68: {  	_ =	shalt  }
0x69: {  	_ =	shalt  }
0x6a: {  	_ =	shalt  }
0x6b: {  	_ =	shalt  }
0x6c: {  	_ =	shalt  }
0x6d: {  	_ =	shalt  }
0x6e: {  	_ =	shalt  }
0x6f: {  	_ =	shalt  }
0x70: {  	_ =	shalt  }
0x71: {  	_ =	shalt  }
0x72: {  	_ =	shalt  }
0x73: {  	_ =	shalt  }
0x74: {  	_ =	shalt  }
0x75: {  	_ =	shalt  }
0x76: {  	_ =	shalt  }
0x77: {  	_ =	shalt  }
0x78: {  	_ =	shalt  }
0x79: {  	_ =	shalt  }
0x7a: {  	_ =	shalt  }
0x7b: {  	_ =	shalt  }
0x7c: {  	_ =	shalt  }
0x7d: {  	_ =	shalt  }
0x7e: {  	_ =	shalt  }
0x7f: {  	_ =	shalt  }
0x80: {  	_ =	shalt  }
0x81: {  	_ =	shalt  }
0x82: {  	_ =	shalt  }
0x83: {  	_ =	shalt  }
0x84: {  	_ =	shalt  }
0x85: {  	_ =	shalt  }
0x86: {  	_ =	shalt  }
0x87: {  	_ =	shalt  }
.Lfunc_end0:
.L_simem_size_0:
called_computation.2_lowered:
.L_overlay_start_0:
0x88: {  	s2 =	sld [smem:$0x3FD9]  }
0x89: {  	s3 =	sld [smem:$0x3FFE];
	_ =	sdelay $0x1  }
0x8a: {  	s1 =	srdreg.scid  }
0x8b: {  	s0 =	sand.u32 $0x1, s1  }
0x8c: {  	s16 =	sshll.u32 s0, $0xA;
	s2 =	sadd.s32 s3, s2  }
0x8d: {  	s2 =	sadd.s32 s2, s16  }
0x8e: {  	[smem:$0x3FBF] =	sst s2  }
0x8f: {  	_ = 	snop  }
0x90: {  	(tm) =	ssettm $0x1  }
0x91: {  	s17 =	sld [smem:$0x3FFB];
	_ =	sdelay $0x3  }
0x92: {  	_ =	strace s17  }
0x93: {  	s2 =	sld [smem:$0x3FFC];
	_ =	sdelay $0x3  }
0x94: {  	_ =	strace s2  }
0x95: {  	s2 =	sld [smem:$0x3FFD];
	_ =	sdelay $0x3  }
0x96: {  	_ =	strace s2  }
0x97: {  	_ =	strace $0x8FFFFFFF  }
0x98: {  	s18 =	sld [smem:$0x3FDB];
	_ =	sdelay $0x1  }
0x99: {  	s19 =	simm.s32 $_scs_section_size  }
0x9a: {  	s4 =	simm.s32 $_size__tile_overlayer_lowered;
	s5 =	simm.s32 $_tile_overlayer_lowered  }
0x9b: {  	s22 =	simm.s32 $0x1BFF;
	s21 =	sshll.u32 s5, $0x1;
	s2 =	sadd.s32 s19, s18  }
0x9c: {  	s6 =	simm.s32 $0x0;
	s20 =	sshll.u32 s4, $0x1;
	s4 =	sadd.s32 s21, s2  }
0x9d: {  	[timem:s6], [sflag:s22] =	dma.local [hbm:s4], s20  }
0x9e: {  	_ =	swait.ge [sflag:s22], s20  }
0x9f: {  	s3 =	ssub.s32 $0x0, s20;
	[sflag:s22] =	ssyncset.done $0x0  }
0xa0: {  	[sflag:s22] =	ssyncadd.s32 s3;
	_ =	sdelay $0x1  }
0xa1: {  	s23 =	simm.s32 $0x1B8B  }
0xa2: {  	_ =	swait.ge [sflag:s23], $0x1  }
0xa3: {  	[sflag:s23] =	ssyncset.done $0x0  }
0xa4: {  	s25 =	simm.s32 $0x1B8E;
	s24 =	sld [smem:$0x3FFE];
	[sflag:s23] =	ssyncadd.s32 $0xFFFFFFFF  }
0xa5: {  	s26 =	simm.s32 $execute0_lowered;
	[smem:$0x3FD2] =	sst s25  }
0xa6: {  	s4 =	sshll.u32 s26, $0x1;
	_ =	strace $0x8000004C;
	[dreg:$0x1] =	wrdreg $0xFFFFFFFF  }
0xa7: {  	s28 =	simm.s32 $_size_execute0_lowered;
	s2 =	sadd.s32 s2, s4;
	[dreg:$0x0] =	wrdreg $0x0  }
0xa8: {  	s4 =	sshll.u32 s28, $0x1;
	[dreg:$0x2] =	wrdreg s2  }
0xa9: {  	[dreg:$0x3] =	wrdreg s4  }
0xaa: {  	[dreg:$0x4] =	wrdreg $0xC0  }
0xab: {  	_ =	task [dreg:s6], $0x5FFFF  }
0xac: {  	[dreg:$0x1] =	wrdreg $0xFFFFFFFF  }
0xad: {  	[dreg:$0x0] =	wrdreg $0x60  }
0xae: {  	[dreg:$0x2] =	wrdreg s24  }
0xaf: {  	[dreg:$0x3] =	wrdreg $0x7F000  }
0xb0: {  	[dreg:$0x4] =	wrdreg $0x9  }
0xb1: {  	_ =	task.clear_ibuf [dreg:s6], $0x5FFFF;
	_ =	strace $0x9000004C  }
0xb2: {  	s29 =	simm.s32 $0x9;
	_ =	strace $0x8000004E  }
0xb3: {  	_ =	swait.ge [sflag:s29], $0x1  }
0xb4: {  	[sflag:s29] =	ssyncadd.s32 $0xFFFFFFFF  }
0xb5: {  	_ =	strace $0x9000004E  }
0xb6: {  	_ =	sfence  }
0xb7: {  	s30 =	sld [smem:$0x0];
	_ =	sdelay $0x2  }
0xb8: {  	s31 =	sshll.u32 s1, $0xD;
	s1 =	sshrl.u32 s1, $0x2  }
0xb9: {  	s3 =	sand.u32 $0x4000, s31;
	s1 =	sadd.s32 s1, s30  }
0xba: {  	s0 =	sor.u32 s3, s0;
	s1 =	sshll.u32 s1, $0x11  }
0xbb: {  	s0 =	sor.u32 s1, s0  }
0xbc: {  	s0 =	sadd.s32 $0x8F2B, s0  }
0xbd: {  	[sflag:s0] =	ssyncadd.remote.s32 $0x1  }
0xbe: {  	_ =	sfence.sel $0xFFFF  }
0xbf: {  	[dreg:$0x0] =	wrdreg $0xFFFFFFFF;
	(pc) =	sbr.abs _section_cstart, $3  }
0xc0: {  	[dreg:$0x1] =	wrdreg $0xFFFFFFFF  }
0xc1: {  	_ =	task.clear_ibuf [dreg:s6], $0x2FFFF;
	_ =	strace $0x9FFFFFFF  }
0xc2: {  	(tm) =	ssettm $0x7FFFFFFF  }
0xc3: {  	_ =	shalt  }
tec
execute0_lowered:
.L_overlay_start_1:
0x0: {  	(tag) =	ssettag $0x1  }
0x1: {  	s0 =	rddreg [dreg:$0x0];
	s1 =	srdreg.scid  }
0x2: {  	s9 =	stileid.u32;
	s2 =	rddreg [dreg:$0x1]  }
0x3: {  	s3 =	simm.s32 $0x0;
	s29 =	simm.s32 $0x1;
	s31 =	simm.s32 $0x6F00  }
0x4: {  	s30 =	simm.s32 $0x0;
	s1 =	sand.u32 $0x1, s1;
	s8 =	smul.u32 $0x28000, s9  }
0x5: {  	s4 =	sshll.u32 s9, $0x1;
	[smem:$0x7FF] =	sst s3;
	s18 =	smul.u32 $0xA000, s9  }
0x6: {  	s4 =	sor.u32 s1, s4;
	s6 =	ssub.s32 $0x2, s1;
	s1 =	smul.u32 $0xA0000, s1  }
0x7: {  	_ =	strace $0x8000004D;
	s5 =	smul.u32 $0x4F0, s4;
	s4 =	sadd.s32 $0x16000, s0  }
0x8: {  	s7 =	sshrl.u32 s6, $0x1;
	s19 =	sshrl.u32 s8, $0x2;
	s20 =	sadd.s32 s18, s2  }
0x9: {  	s22 =	sadd.s32 $0x2000, s18;
	s9 =	sadd.s32 $0x4000, s18;
	s24 =	sadd.s32 $0x6000, s18  }
0xa: {  	s25 =	sadd.s32 $0x8000, s18;
	s6 =	ssub.s32 s6, s7;
	s7 =	sadd.s32 s19, s2  }
0xb: {  	[dreg:$0x5] =	wrdreg s20;
	s8 =	sadd.s32 s1, s18;
	s16 =	sadd.s32 s1, s22  }
0xc: {  	s19 =	sadd.s32 s1, s9;
	s26 =	sadd.s32 s1, s24;
	s1 =	sadd.s32 s1, s25  }
0xd: {  	s22 =	sadd.s32 s22, s2;
	s24 =	sadd.s32 s24, s2;
	s25 =	sadd.s32 s25, s2  }
0xe: {  	s5 =	sadd.s32 s5, s0;
	s0 =	sadd.s32 $0x2A000, s0;
	s21 =	smax.u32 s6, $0x1  }
0xf: {  	s10 =	sadd.s32 $0x1000, s7;
	s11 =	sadd.s32 $0x2000, s7;
	s12 =	sadd.s32 $0x3000, s7  }
0x10: {  	s13 =	sadd.s32 $0x4000, s7;
	s14 =	sadd.s32 $0x5000, s7;
	s15 =	sadd.s32 $0x6000, s7  }
0x11: {  	s6 =	sshrl.u32 s8, $0x3;
	s23 =	sshrl.u32 s19, $0x3;
	s19 =	sshrl.u32 s26, $0x3  }
0x12: {  	s1 =	sshrl.u32 s1, $0x3;
	s26 =	sadd.s32 $0x8000, s7;
	s28 =	sadd.s32 $0x9000, s7  }
0x13: {  	s17 =	sadd.s32 $0xC200, s5;
	s5 =	sadd.s32 $0x1A00, s5;
	[dreg:$0x6] =	wrdreg s21  }
0x14: {  	s18 =	sadd.s32 s0, s23;
	s19 =	sadd.s32 s0, s19;
	s20 =	sadd.s32 s0, s1  }
0x15: {  	s21 =	sadd.s32 $0x7000, s7;
	s23 =	sadd.s32 s9, s2;
	[dreg:$0x3] =	wrdreg s17  }
0x16: {  	s1 =	simm.s32 $0x80;
	[dreg:$0x4] =	wrdreg s5;
	s17 =	sshrl.u32 s16, $0x3  }
0x17: {  	v0 =	vimm.f32 $0.0e+00;
	s16 =	sadd.s32 s0, s6;
	s17 =	sadd.s32 s0, s17;
	s0 =	simm.s32 $0x4F00  }
.LBB2_1:
0x18: {  	s5 =	rddreg [dreg:$0x3]  }
0x19: {  	[tilespmem:s3], [sflag:$0x1] =	stream.linear.gather [hbm4b:s5+s3], $0x2780, $0x38;
	[tilespmem:$0x11F00] =	vst v63  }
0x1a: {  	_ =	swait.ge [sflag:s29], $0x2780  }
0x1b: {  	[sflag:s29] =	ssyncset.done $0x0  }
0x1c: {  	s6 =	simm.s32 $0x2780;
	s9 =	rddreg [dreg:$0x4];
	[sflag:s29] =	ssyncadd.s32 $0xFFFFD880  }
0x1d: {  	[tilespmem:s6], [sflag:$0x1] =	stream.linear.gather [hbm4b:s9+s3], $0x2780, $0x38;
	[tilespmem:$0x11F00] =	vst v63  }
0x1e: {  	_ =	swait.ge [sflag:s29], $0x2780  }
0x1f: {  	[sflag:s29] =	ssyncset.done $0x0  }
0x20: {  	s5 =	simm.s32 $0x0;
	s6 =	simm.s32 $0x100;
	[sflag:s29] =	ssyncadd.s32 $0xFFFFD880  }
.LBB2_2:
0x21: {  	p0 =	sne.s32 s6, $0x3F00;
	[tilespmem:s5+$0x6F30] =	vst v0;
	s8 =	smov.u32 s6;
	s6 =	sadd.s32 $0x100, s6  }
.Ltmp0:
0x22: {  	[tilespmem:s5+$0x6F20] =	vst v0;
	(pc) =	sbr.rel @p0 .LBB2_2-.Ltmp0, $3  }
0x23: {  	[tilespmem:s5+$0x6F00] =	vst v0  }
0x24: {  	[tilespmem:s5+$0x6F10] =	vst v0;
	_ =	sdelay $0x1  }
0x25: {  	s5 =	sshra.s32 s8, $0x2  }
0x26: {  	[tilespmem:s5+$0x6F30] =	vst v0  }
0x27: {  	[tilespmem:s5+$0x6F20] =	vst v0  }
0x28: {  	[tilespmem:s5+$0x6F00] =	vst v0  }
0x29: {  	[tilespmem:s5+$0x6F10] =	vst v0  }
0x2a: {  	[spmem:s7] =	stream.linear.scatter [tilespmem:s31], [sflag:$0x1], $0x1000, $0x38;
	[tilespmem:$0x11F00] =	vst v63  }
0x2b: {  	_ =	swait.ge [sflag:s29], $0x1000  }
0x2c: {  	[sflag:s29] =	ssyncset.done $0x0  }
0x2d: {  	[sflag:s29] =	ssyncadd.s32 $0xFFFFF000  }
0x2e: {  	[spmem:s10] =	stream.linear.scatter [tilespmem:s31], [sflag:$0x1], $0x1000, $0x38;
	[tilespmem:$0x11F00] =	vst v63  }
0x2f: {  	_ =	swait.ge [sflag:s29], $0x1000  }
0x30: {  	[sflag:s29] =	ssyncset.done $0x0  }
0x31: {  	[sflag:s29] =	ssyncadd.s32 $0xFFFFF000  }
0x32: {  	[spmem:s11] =	stream.linear.scatter [tilespmem:s31], [sflag:$0x1], $0x1000, $0x38;
	[tilespmem:$0x11F00] =	vst v63  }
0x33: {  	_ =	swait.ge [sflag:s29], $0x1000  }
0x34: {  	[sflag:s29] =	ssyncset.done $0x0  }
0x35: {  	[sflag:s29] =	ssyncadd.s32 $0xFFFFF000  }
0x36: {  	[spmem:s12] =	stream.linear.scatter [tilespmem:s31], [sflag:$0x1], $0x1000, $0x38;
	[tilespmem:$0x11F00] =	vst v63  }
0x37: {  	_ =	swait.ge [sflag:s29], $0x1000  }
0x38: {  	[sflag:s29] =	ssyncset.done $0x0  }
0x39: {  	[sflag:s29] =	ssyncadd.s32 $0xFFFFF000  }
0x3a: {  	[spmem:s13] =	stream.linear.scatter [tilespmem:s31], [sflag:$0x1], $0x1000, $0x38;
	[tilespmem:$0x11F00] =	vst v63  }
0x3b: {  	_ =	swait.ge [sflag:s29], $0x1000  }
0x3c: {  	[sflag:s29] =	ssyncset.done $0x0  }
0x3d: {  	[sflag:s29] =	ssyncadd.s32 $0xFFFFF000  }
0x3e: {  	[spmem:s14] =	stream.linear.scatter [tilespmem:s31], [sflag:$0x1], $0x1000, $0x38;
	[tilespmem:$0x11F00] =	vst v63  }
0x3f: {  	_ =	swait.ge [sflag:s29], $0x1000  }
0x40: {  	[sflag:s29] =	ssyncset.done $0x0  }
0x41: {  	[sflag:s29] =	ssyncadd.s32 $0xFFFFF000  }
0x42: {  	[spmem:s15] =	stream.linear.scatter [tilespmem:s31], [sflag:$0x1], $0x1000, $0x38;
	[tilespmem:$0x11F00] =	vst v63  }
0x43: {  	_ =	swait.ge [sflag:s29], $0x1000  }
0x44: {  	[sflag:s29] =	ssyncset.done $0x0  }
0x45: {  	[sflag:s29] =	ssyncadd.s32 $0xFFFFF000  }
0x46: {  	[spmem:s21] =	stream.linear.scatter [tilespmem:s31], [sflag:$0x1], $0x1000, $0x38;
	[tilespmem:$0x11F00] =	vst v63  }
0x47: {  	_ =	swait.ge [sflag:s29], $0x1000  }
0x48: {  	[sflag:s29] =	ssyncset.done $0x0  }
0x49: {  	[sflag:s29] =	ssyncadd.s32 $0xFFFFF000  }
0x4a: {  	[spmem:s26] =	stream.linear.scatter [tilespmem:s31], [sflag:$0x1], $0x1000, $0x38;
	[tilespmem:$0x11F00] =	vst v63  }
0x4b: {  	_ =	swait.ge [sflag:s29], $0x1000  }
0x4c: {  	[sflag:s29] =	ssyncset.done $0x0  }
0x4d: {  	[sflag:s29] =	ssyncadd.s32 $0xFFFFF000  }
0x4e: {  	[spmem:s28] =	stream.linear.scatter [tilespmem:s31], [sflag:$0x1], $0x1000, $0x38;
	[tilespmem:$0x11F00] =	vst v63  }
0x4f: {  	_ =	swait.ge [sflag:s29], $0x1000  }
0x50: {  	[sflag:s29] =	ssyncset.done $0x0  }
0x51: {  	[sflag:s29] =	ssyncadd.s32 $0xFFFFF000  }
0x52: {  	s8 =	simm.s32 $0x0;
	[bflag:$0x0] =	sbarrier.arrive $0xFFFF  }
0x53: {  	[tilespmem:s0], [sflag:$0x1] =	stream.indirect.gather [hbm4b:s4+s1], $0x40, s8, s1, $0xb8;
	[tilespmem:$0x11F00] =	vst v63  }
0x54: {  	_ =	swait.ge [sflag:s29], $0x2000  }
0x55: {  	[sflag:s29] =	ssyncset.done $0x0  }
0x56: {  	s9 =	simm.s32 $0x2780;
	[sflag:s29] =	ssyncadd.s32 $0xFFFFE000  }
0x57: {  	[spmem:s2] =	stream.indirect.scatter.add.f32 [tilespmem:s0], [sflag:$0x1], $0x40, s9, s1, $0xb8;
	[tilespmem:$0x11F00] =	vst v63  }
0x58: {  	_ =	swait.ge [sflag:s29], $0x2000  }
0x59: {  	s5 =	simm.s32 $0x200;
	s6 =	simm.s32 $0x400;
	[sflag:s29] =	ssyncset.done $0x0  }
.LBB2_4:
0x5a: {  	s8 =	sshra.s32 s5, $0x2  }
0x5b: {  	[sflag:s29] =	ssyncadd.s32 $0xFFFFE000;
	s5 =	smov.u32 s6;
	s9 =	sadd.s32 $0x200, s6  }
0x5c: {  	[tilespmem:s0], [sflag:$0x1] =	stream.indirect.gather [hbm4b:s4+s1], $0x40, s8, s1, $0xb8;
	[tilespmem:$0x11F00] =	vst v63  }
0x5d: {  	p0 =	sne.s32 s6, $0x9C00;
	_ =	swait.ge [sflag:s29], $0x2000  }
.Ltmp1:
0x5e: {  	[sflag:s29] =	ssyncset.done $0x0;
	(pc) =	sbr.rel @p0 .LBB2_4-.Ltmp1, $4  }
0x5f: {  	s6 =	sadd.s32 $0x2780, s8;
	[sflag:s29] =	ssyncadd.s32 $0xFFFFE000  }
0x60: {  	[spmem:s2] =	stream.indirect.scatter.add.f32 [tilespmem:s0], [sflag:$0x1], $0x40, s6, s1, $0xb8;
	[tilespmem:$0x11F00] =	vst v63  }
0x61: {  	_ =	swait.ge [sflag:s29], $0x2000  }
0x62: {  	s6 =	smov.u32 s9;
	[sflag:s29] =	ssyncset.done $0x0  }
0x63: {  	s5 =	sshra.s32 s5, $0x2;
	[sflag:s29] =	ssyncadd.s32 $0xFFFFE000  }
0x64: {  	[tilespmem:s0], [sflag:$0x1] =	stream.indirect.gather [hbm4b:s4+s1], $0x40, s5, s1, $0xb8;
	[tilespmem:$0x11F00] =	vst v63  }
0x65: {  	_ =	swait.ge [sflag:s29], $0x2000  }
0x66: {  	[sflag:s29] =	ssyncset.done $0x0  }
0x67: {  	s5 =	sadd.s32 $0x2780, s5;
	[sflag:s29] =	ssyncadd.s32 $0xFFFFE000  }
0x68: {  	[spmem:s2] =	stream.indirect.scatter.add.f32 [tilespmem:s0], [sflag:$0x1], $0x40, s5, s1, $0xb8;
	[tilespmem:$0x11F00] =	vst v63  }
0x69: {  	_ =	swait.ge [sflag:s29], $0x2000  }
0x6a: {  	[sflag:s29] =	ssyncset.done $0x0  }
0x6b: {  	[sflag:s29] =	ssyncadd.s32 $0xFFFFE000  }
0x6c: {  	[bflag:$0x0] =	sbarrier.arrive $0xFFFF  }
0x6d: {  	s8 =	rddreg [dreg:$0x5]  }
0x6e: {  	[tilespmem:s0], [sflag:$0x1] =	stream.linear.gather [spmem:s8], $0x2000, $0x38;
	[tilespmem:$0x11F00] =	vst v63  }
0x6f: {  	_ =	swait.ge [sflag:s29], $0x2000  }
0x70: {  	[sflag:s29] =	ssyncset.done $0x0  }
0x71: {  	[sflag:s29] =	ssyncadd.s32 $0xFFFFE000  }
0x72: {  	[hbm4b:s16+s3] =	stream.linear.scatter [tilespmem:s0], [sflag:$0x1], $0x2000, $0x38;
	[tilespmem:$0x11F00] =	vst v63  }
0x73: {  	_ =	swait.ge [sflag:s29], $0x2000  }
0x74: {  	[sflag:s29] =	ssyncset.done $0x0  }
0x75: {  	[sflag:s29] =	ssyncadd.s32 $0xFFFFE000  }
0x76: {  	[tilespmem:s0], [sflag:$0x1] =	stream.linear.gather [spmem:s22], $0x2000, $0x38;
	[tilespmem:$0x11F00] =	vst v63  }
0x77: {  	_ =	swait.ge [sflag:s29], $0x2000  }
0x78: {  	[sflag:s29] =	ssyncset.done $0x0  }
0x79: {  	[sflag:s29] =	ssyncadd.s32 $0xFFFFE000  }
0x7a: {  	[hbm4b:s17+s3] =	stream.linear.scatter [tilespmem:s0], [sflag:$0x1], $0x2000, $0x38;
	[tilespmem:$0x11F00] =	vst v63  }
0x7b: {  	_ =	swait.ge [sflag:s29], $0x2000  }
0x7c: {  	[sflag:s29] =	ssyncset.done $0x0  }
0x7d: {  	[sflag:s29] =	ssyncadd.s32 $0xFFFFE000  }
0x7e: {  	[tilespmem:s0], [sflag:$0x1] =	stream.linear.gather [spmem:s23], $0x2000, $0x38;
	[tilespmem:$0x11F00] =	vst v63  }
0x7f: {  	_ =	swait.ge [sflag:s29], $0x2000  }
0x80: {  	[sflag:s29] =	ssyncset.done $0x0  }
0x81: {  	[sflag:s29] =	ssyncadd.s32 $0xFFFFE000  }
0x82: {  	[hbm4b:s18+s3] =	stream.linear.scatter [tilespmem:s0], [sflag:$0x1], $0x2000, $0x38;
	[tilespmem:$0x11F00] =	vst v63  }
0x83: {  	_ =	swait.ge [sflag:s29], $0x2000  }
0x84: {  	[sflag:s29] =	ssyncset.done $0x0  }
0x85: {  	[sflag:s29] =	ssyncadd.s32 $0xFFFFE000  }
0x86: {  	[tilespmem:s0], [sflag:$0x1] =	stream.linear.gather [spmem:s24], $0x2000, $0x38;
	[tilespmem:$0x11F00] =	vst v63  }
0x87: {  	_ =	swait.ge [sflag:s29], $0x2000  }
0x88: {  	[sflag:s29] =	ssyncset.done $0x0  }
0x89: {  	[sflag:s29] =	ssyncadd.s32 $0xFFFFE000  }
0x8a: {  	[hbm4b:s19+s3] =	stream.linear.scatter [tilespmem:s0], [sflag:$0x1], $0x2000, $0x38;
	[tilespmem:$0x11F00] =	vst v63  }
0x8b: {  	_ =	swait.ge [sflag:s29], $0x2000  }
0x8c: {  	[sflag:s29] =	ssyncset.done $0x0  }
0x8d: {  	[sflag:s29] =	ssyncadd.s32 $0xFFFFE000  }
0x8e: {  	[tilespmem:s0], [sflag:$0x1] =	stream.linear.gather [spmem:s25], $0x2000, $0x38;
	[tilespmem:$0x11F00] =	vst v63  }
0x8f: {  	_ =	swait.ge [sflag:s29], $0x2000  }
0x90: {  	[sflag:s29] =	ssyncset.done $0x0  }
0x91: {  	[sflag:s29] =	ssyncadd.s32 $0xFFFFE000  }
0x92: {  	[hbm4b:s20+s3] =	stream.linear.scatter [tilespmem:s0], [sflag:$0x1], $0x2000, $0x38;
	[tilespmem:$0x11F00] =	vst v63  }
0x93: {  	_ =	swait.ge [sflag:s29], $0x2000  }
0x94: {  	s30 =	sadd.s32 $0x1, s30;
	s9 =	rddreg [dreg:$0x6]  }
0x95: {  	p0 =	sne.s32 s30, s9  }
.Ltmp2:
0x96: {  	_ = 	snop;
	(pc) =	sbr.rel @p0 .LBB2_1-.Ltmp2, $3  }
0x97: {  	_ =	sdelay $0x1  }
0x98: {  	[sflag:s29] =	ssyncset.done $0x0  }
0x99: {  	[sflag:s29] =	ssyncadd.s32 $0xFFFFE000  }
0x9a: {  	_ =	sfence.sel $0x180000  }
0x9b: {  	[bflag:$0x0] =	sbarrier.arrive $0xFFFF  }
0x9c: {  	_ =	strace $0x9000004D  }
0x9d: {  	s0 =	stileid.u32;
	[bflag:$0x2] =	sbarrier.arrive $0xFFFF  }
0x9e: {  	p0 =	sne.s32 s0, $0x0;
	s0 =	rddreg [dreg:$0x2]  }
0x9f: {  	s0 =	sadd.s32 @!p0 $0x100000, s0  }
0xa0: {  	[sflag:s0] =	ssyncadd.tile.s32 @!p0 $0x1;
	_ =	shalt  }
.Lfunc_end2:
_tile_overlayer_lowered:
.L_overlay_start_2:
0xa1: {  	(tag) =	ssettag $0x2  }
0xa2: {  	s0 =	rddreg [dreg:$0x0];
	s2 =	stileid.u32  }
0xa3: {  	s1 =	rddreg [dreg:$0x1];
	p0 =	sne.s32 s2, $0x0  }
0xa4: {  	s3 =	rddreg [dreg:$0x2];
	[bflag:$0x3] =	sbarrier.arrive $0xFFFF;
	s2 =	simm.s32 @!p0 $0x1C01  }
0xa5: {  	[timem:s3], [sflag:s2] =	dma.local @!p0 [hbm:s0], s1  }
0xa6: {  	s0 =	simm.s32 @!p0 $0x1  }
0xa7: {  	_ =	swait.ge @!p0 [sflag:s0], s1  }
0xa8: {  	s1 =	ssub.s32 @!p0 $0x0, s1;
	[sflag:s0] =	ssyncset.done @!p0 $0x0  }
0xa9: {  	[sflag:s0] =	ssyncadd.s32 @!p0 s1  }
0xaa: {  	[bflag:$0x3] =	sbarrier.arrive $0xFFFF  }
0xab: {  	_ =	shalt  }

// kernel: kernel.8.cloned.1.call-start
scs
__scs_entry_jumppad:
0x0: {  	(pc) =	sbr.rel $0x88, $3  }
0x1: {  	(tag) =	ssettag $0x0;
	lr =	simm.s32 $0x1  }
0x2: {  	[smem:$0x3F98] =	sst lr;
	_ =	strace $0xD0000000  }
0x3: {  	_ = 	snop  }
0x4: {  	_ = 	snop  }
0x5: {  	_ = 	snop  }
0x6: {  	_ = 	snop  }
0x7: {  	_ = 	snop  }
__scs_overlays_trampoline_lowered:
0x8: {  	[smem:$0x3FA7] =	sst s0  }
0x9: {  	[smem:$0x3FA8] =	sst s1  }
0xa: {  	[smem:$0x3FA9] =	sst s2  }
0xb: {  	[smem:$0x3FAA] =	sst s3  }
0xc: {  	[smem:$0x3FAB] =	sst s4  }
0xd: {  	[smem:$0x3FAC] =	sst s5  }
0xe: {  	[smem:$0x3FAD] =	sst s6  }
0xf: {  	[smem:$0x3FAE] =	sst s7  }
0x10: {  	[smem:$0x3FAF] =	sst s8  }
0x11: {  	[smem:$0x3FB0] =	sst s9;
	s0 =	simm.s32 @!p0 $0x0  }
0x12: {  	s1 =	sld [smem:$0x3F96];
	s0 =	simm.s32 @p0 $0x1  }
0x13: {  	[smem:$0x3FB1] =	sst s0;
	s0 =	simm.s32 @!p1 $0x0  }
0x14: {  	s2 =	sld [smem:$0x3F95];
	s0 =	simm.s32 @p1 $0x1  }
0x15: {  	[smem:$0x3FB2] =	sst s0;
	s0 =	simm.s32 @!p2 $0x0  }
0x16: {  	s3 =	sld [smem:$0x3FDB];
	s0 =	simm.s32 @p2 $0x1  }
0x17: {  	s4 =	simm.s32 $0x1BF5;
	[smem:$0x3FB4] =	sst s0  }
0x18: {  	s0 =	sld [smem:$0x3F97];
	_ =	swait.ge [sflag:s4], $0x0  }
0x19: {  	s7 =	sld [smem:$0x3F98]  }
0x1a: {  	s8 =	sadd.s32 $0xFFFFE003, lr  }
0x1b: {  	s9 =	sadd.s32 $0xFFFFFEF7, lr;
	s5 =	simm.s32 $0xFFFFFFFF;
	p2 =	slt.u32 s8, $0xFFFFF086  }
0x1c: {  	p1 =	slt.u32 s9, $0xF7A;
	s5 =	simm.s32 @!p2 $0x0  }
0x1d: {  	s5 =	simm.s32 @p1 $0x1;
	p0 =	seq.s32 s7, s2  }
0x1e: {  	s7 =	smul.u32 @!p0 $0xF7A, s2;
	p2 =	seq.s32 @!p0 s5, $0x0  }
0x1f: {  	s9 =	smul.u32 $0xF7A, s1;
	s8 =	simm.s32 @!p0 $0x1BF5;
	p2 =	por !p2, p0  }
0x20: {  	[sflag:s8] =	ssyncset.s32 @!p0 $0xFFFFF086;
	s6 =	sadd.s32 @!p0 s3, s7;
	s7 =	simm.s32 @!p0 $0x108  }
0x21: {  	s3 =	sadd.s32 s3, s9;
	s6 =	sadd.s32 @!p0 $0x88, s6;
	s7 =	simm.s32 @p2 $0x1082  }
0x22: {  	[simem:s7], [sflag:s8] =	dma.local @!p0 [hbm:s6], $0xF7A  }
0x23: {  	s9 =	sor.u32 $0xD0000000, s2;
	s6 =	simm.s32 $0x108;
	_ =	swait.ge @!p0 [sflag:s8], $0x0  }
0x24: {  	s3 =	sadd.s32 $0x88, s3;
	s6 =	simm.s32 @!p1 $0x1082;
	[sflag:s4] =	ssyncset.s32 $0xFFFFF086  }
0x25: {  	[simem:s6], [sflag:s4] =	dma.local [hbm:s3], $0xF7A  }
0x26: {  	[smem:$0x3F98] =	sst s1;
	(tag) =	ssettag s2;
	_ =	strace s9  }
0x27: {  	s1 =	sld [smem:$0x3FA8]  }
0x28: {  	s2 =	sld [smem:$0x3FA9]  }
0x29: {  	s4 =	sld [smem:$0x3FAB]  }
0x2a: {  	p0 =	seq.s32 s5, $0x0;
	s5 =	sld [smem:$0x3FAC]  }
0x2b: {  	s6 =	sld [smem:$0x3FAD]  }
0x2c: {  	s7 =	sld [smem:$0x3FAE]  }
0x2d: {  	s3 =	simm.s32 $0x108;
	s8 =	sld [smem:$0x3FAF]  }
0x2e: {  	s3 =	simm.s32 @!p0 $0x1082;
	s9 =	sld [smem:$0x3FB0]  }
0x2f: {  	lr =	sadd.s32 s0, s3;
	s0 =	sld [smem:$0x3FA7]  }
0x30: {  	s3 =	sld [smem:$0x3FAA]  }
0x31: {  	[smem:$0x3FB3] =	sst s10  }
0x32: {  	s10 =	sld [smem:$0x3FB1];
	_ =	sdelay $0x3  }
0x33: {  	p0 =	seq.s32 s10, $0x1;
	s10 =	sld [smem:$0x3FB3];
	_ =	sdelay $0x3  }
0x34: {  	[smem:$0x3FB3] =	sst s10  }
0x35: {  	s10 =	sld [smem:$0x3FB2];
	_ =	sdelay $0x3  }
0x36: {  	p1 =	seq.s32 s10, $0x1;
	s10 =	sld [smem:$0x3FB3];
	_ =	sdelay $0x3  }
0x37: {  	[smem:$0x3FB3] =	sst s10  }
0x38: {  	s10 =	sld [smem:$0x3FB4]  }
0x39: {  	_ = 	snop;
	(pc) =	sbr.ind lr, $3  }
0x3a: {  	_ = 	snop  }
0x3b: {  	_ = 	snop  }
0x3c: {  	p2 =	seq.s32 s10, $0x1;
	s10 =	sld [smem:$0x3FB3]  }
0x3d: {  	_ =	shalt  }
0x3e: {  	_ =	shalt  }
0x3f: {  	_ =	shalt  }
0x40: {  	_ =	shalt  }
0x41: {  	_ =	shalt  }
0x42: {  	_ =	shalt  }
0x43: {  	_ =	shalt  }
0x44: {  	_ =	shalt  }
0x45: {  	_ =	shalt  }
0x46: {  	_ =	shalt  }
0x47: {  	_ =	shalt  }
0x48: {  	_ =	shalt  }
0x49: {  	_ =	shalt  }
0x4a: {  	_ =	shalt  }
0x4b: {  	_ =	shalt  }
0x4c: {  	_ =	shalt  }
0x4d: {  	_ =	shalt  }
0x4e: {  	_ =	shalt  }
0x4f: {  	_ =	shalt  }
0x50: {  	_ =	shalt  }
0x51: {  	_ =	shalt  }
0x52: {  	_ =	shalt  }
0x53: {  	_ =	shalt  }
0x54: {  	_ =	shalt  }
0x55: {  	_ =	shalt  }
0x56: {  	_ =	shalt  }
0x57: {  	_ =	shalt  }
0x58: {  	_ =	shalt  }
0x59: {  	_ =	shalt  }
0x5a: {  	_ =	shalt  }
0x5b: {  	_ =	shalt  }
0x5c: {  	_ =	shalt  }
0x5d: {  	_ =	shalt  }
0x5e: {  	_ =	shalt  }
0x5f: {  	_ =	shalt  }
0x60: {  	_ =	shalt  }
0x61: {  	_ =	shalt  }
0x62: {  	_ =	shalt  }
0x63: {  	_ =	shalt  }
0x64: {  	_ =	shalt  }
0x65: {  	_ =	shalt  }
0x66: {  	_ =	shalt  }
0x67: {  	_ =	shalt  }
0x68: {  	_ =	shalt  }
0x69: {  	_ =	shalt  }
0x6a: {  	_ =	shalt  }
0x6b: {  	_ =	shalt  }
0x6c: {  	_ =	shalt  }
0x6d: {  	_ =	shalt  }
0x6e: {  	_ =	shalt  }
0x6f: {  	_ =	shalt  }
0x70: {  	_ =	shalt  }
0x71: {  	_ =	shalt  }
0x72: {  	_ =	shalt  }
0x73: {  	_ =	shalt  }
0x74: {  	_ =	shalt  }
0x75: {  	_ =	shalt  }
0x76: {  	_ =	shalt  }
0x77: {  	_ =	shalt  }
0x78: {  	_ =	shalt  }
0x79: {  	_ =	shalt  }
0x7a: {  	_ =	shalt  }
0x7b: {  	_ =	shalt  }
0x7c: {  	_ =	shalt  }
0x7d: {  	_ =	shalt  }
0x7e: {  	_ =	shalt  }
0x7f: {  	_ =	shalt  }
0x80: {  	_ =	shalt  }
0x81: {  	_ =	shalt  }
0x82: {  	_ =	shalt  }
0x83: {  	_ =	shalt  }
0x84: {  	_ =	shalt  }
0x85: {  	_ =	shalt  }
0x86: {  	_ =	shalt  }
0x87: {  	_ =	shalt  }
.Lfunc_end0:
.L_simem_size_0:
called_computation_lowered:
.L_overlay_start_0:
0x88: {  	s2 =	sld [smem:$0x3FD9]  }
0x89: {  	s3 =	sld [smem:$0x3FFE];
	_ =	sdelay $0x1  }
0x8a: {  	s1 =	srdreg.scid  }
0x8b: {  	s0 =	sand.u32 $0x1, s1  }
0x8c: {  	s16 =	sshll.u32 s0, $0xA;
	s2 =	sadd.s32 s3, s2  }
0x8d: {  	s2 =	sadd.s32 s2, s16  }
0x8e: {  	[smem:$0x3FBF] =	sst s2  }
0x8f: {  	_ = 	snop  }
0x90: {  	(tm) =	ssettm $0x1  }
0x91: {  	s17 =	sld [smem:$0x3FFB];
	_ =	sdelay $0x3  }
0x92: {  	_ =	strace s17  }
0x93: {  	s2 =	sld [smem:$0x3FFC];
	_ =	sdelay $0x3  }
0x94: {  	_ =	strace s2  }
0x95: {  	s2 =	sld [smem:$0x3FFD];
	_ =	sdelay $0x3  }
0x96: {  	_ =	strace s2  }
0x97: {  	_ =	strace $0x8FFFFFFF  }
0x98: {  	s18 =	sld [smem:$0x3FDB];
	_ =	sdelay $0x1  }
0x99: {  	s19 =	simm.s32 $_scs_section_size  }
0x9a: {  	s4 =	simm.s32 $_size__tile_overlayer_lowered;
	s5 =	simm.s32 $_tile_overlayer_lowered  }
0x9b: {  	s22 =	simm.s32 $0x1BFF;
	s21 =	sshll.u32 s5, $0x1;
	s2 =	sadd.s32 s19, s18  }
0x9c: {  	s6 =	simm.s32 $0x0;
	s20 =	sshll.u32 s4, $0x1;
	s4 =	sadd.s32 s21, s2  }
0x9d: {  	[timem:s6], [sflag:s22] =	dma.local [hbm:s4], s20  }
0x9e: {  	_ =	swait.ge [sflag:s22], s20  }
0x9f: {  	s3 =	ssub.s32 $0x0, s20;
	[sflag:s22] =	ssyncset.done $0x0  }
0xa0: {  	[sflag:s22] =	ssyncadd.s32 s3;
	_ =	sdelay $0x1  }
0xa1: {  	s23 =	simm.s32 $0x1B8B  }
0xa2: {  	_ =	swait.ge [sflag:s23], $0x1  }
0xa3: {  	[sflag:s23] =	ssyncset.done $0x0  }
0xa4: {  	s25 =	simm.s32 $0x1B8E;
	s24 =	sld [smem:$0x3FFE];
	[sflag:s23] =	ssyncadd.s32 $0xFFFFFFFF  }
0xa5: {  	s26 =	simm.s32 $execute0_lowered;
	[smem:$0x3FD2] =	sst s25  }
0xa6: {  	s4 =	sshll.u32 s26, $0x1;
	_ =	strace $0x80000046;
	[dreg:$0x1] =	wrdreg $0xFFFFFFFF  }
0xa7: {  	s28 =	simm.s32 $_size_execute0_lowered;
	s2 =	sadd.s32 s2, s4;
	[dreg:$0x0] =	wrdreg $0x0  }
0xa8: {  	s4 =	sshll.u32 s28, $0x1;
	[dreg:$0x2] =	wrdreg s2  }
0xa9: {  	[dreg:$0x3] =	wrdreg s4  }
0xaa: {  	[dreg:$0x4] =	wrdreg $0xC0  }
0xab: {  	_ =	task [dreg:s6], $0x5FFFF  }
0xac: {  	[dreg:$0x1] =	wrdreg $0xFFFFFFFF  }
0xad: {  	[dreg:$0x0] =	wrdreg $0x60  }
0xae: {  	[dreg:$0x2] =	wrdreg s24  }
0xaf: {  	[dreg:$0x3] =	wrdreg $0x2A800  }
0xb0: {  	[dreg:$0x4] =	wrdreg $0x9  }
0xb1: {  	_ =	task.clear_ibuf [dreg:s6], $0x5FFFF;
	_ =	strace $0x90000046  }
0xb2: {  	s29 =	simm.s32 $0x9;
	_ =	strace $0x80000048  }
0xb3: {  	_ =	swait.ge [sflag:s29], $0x1  }
0xb4: {  	[sflag:s29] =	ssyncadd.s32 $0xFFFFFFFF  }
0xb5: {  	_ =	strace $0x90000048  }
0xb6: {  	_ =	sfence  }
0xb7: {  	s30 =	sld [smem:$0x0];
	_ =	sdelay $0x2  }
0xb8: {  	s31 =	sshll.u32 s1, $0xD;
	s1 =	sshrl.u32 s1, $0x2  }
0xb9: {  	s3 =	sand.u32 $0x4000, s31;
	s1 =	sadd.s32 s1, s30  }
0xba: {  	s0 =	sor.u32 s3, s0;
	s1 =	sshll.u32 s1, $0x11  }
0xbb: {  	s0 =	sor.u32 s1, s0  }
0xbc: {  	s0 =	sadd.s32 $0x8F2B, s0  }
0xbd: {  	[sflag:s0] =	ssyncadd.remote.s32 $0x1  }
0xbe: {  	_ =	sfence.sel $0xFFFF  }
0xbf: {  	[dreg:$0x0] =	wrdreg $0xFFFFFFFF;
	(pc) =	sbr.abs _section_cstart, $3  }
0xc0: {  	[dreg:$0x1] =	wrdreg $0xFFFFFFFF  }
0xc1: {  	_ =	task.clear_ibuf [dreg:s6], $0x2FFFF;
	_ =	strace $0x9FFFFFFF  }
0xc2: {  	(tm) =	ssettm $0x7FFFFFFF  }
0xc3: {  	_ =	shalt  }
tec
execute0_lowered:
.L_overlay_start_1:
0x0: {  	(tag) =	ssettag $0x1  }
0x1: {  	s4 =	rddreg [dreg:$0x0]  }
0x2: {  	s2 =	rddreg [dreg:$0x1];
	s3 =	srdreg.scid  }
0x3: {  	s1 =	stileid.u32;
	s0 =	rddreg [dreg:$0x2];
	s10 =	simm.s32 $0x80  }
0x4: {  	s11 =	simm.s32 $0x2780;
	s12 =	simm.s32 $0x0;
	s5 =	sand.u32 $0x1, s3  }
0x5: {  	s6 =	smul.u32 $0x280, s1;
	s3 =	simm.s32 $0x0;
	s7 =	sshll.u32 s1, $0x1  }
0x6: {  	s8 =	smul.u32 $0x2800, s5;
	s7 =	sor.u32 s5, s7;
	s5 =	ssub.s32 $0x2, s5  }
0x7: {  	[smem:$0x7FF] =	sst s3;
	s7 =	smul.u32 $0x4F0, s7;
	s9 =	sshrl.u32 s5, $0x1  }
0x8: {  	_ =	strace $0x80000047;
	s8 =	sadd.s32 s6, s8;
	s9 =	ssub.s32 s5, s9  }
0x9: {  	s5 =	sadd.s32 s6, s2;
	s8 =	sshrl.u32 s8, $0x3;
	s7 =	sadd.s32 s7, s4  }
0xa: {  	s8 =	sadd.s32 s8, s4;
	s4 =	sadd.s32 $0x1A00, s7;
	s7 =	smax.u32 s9, $0x1  }
0xb: {  	v0 =	vimm.f32 $1.000000000e+00;
	v1 =	vimm.f32 $0.0e+00;
	s9 =	simm.s32 $0x2800;
	s6 =	sadd.s32 $0xB800, s8;
	s8 =	simm.s32 $0x1  }
.LBB2_1:
0xc: {  	[tilespmem:s3], [sflag:$0x1] =	stream.linear.gather [hbm4b:s4+s3], $0x2780, $0x38;
	[tilespmem:$0x2D00] =	vst v63  }
0xd: {  	_ =	swait.ge [sflag:s8], $0x2780  }
0xe: {  	[sflag:s8] =	ssyncset.done $0x0  }
0xf: {  	[sflag:s8] =	ssyncadd.s32 $0xFFFFD880  }
0x10: {  	[tilespmem:$0x2780] =	vst v0  }
0x11: {  	[tilespmem:$0x2790] =	vst v0  }
0x12: {  	[tilespmem:$0x27A0] =	vst v0  }
0x13: {  	[tilespmem:$0x27B0] =	vst v0  }
0x14: {  	[tilespmem:$0x27C0] =	vst v0  }
0x15: {  	[tilespmem:$0x27D0] =	vst v0  }
0x16: {  	[tilespmem:$0x27E0] =	vst v0  }
0x17: {  	[tilespmem:$0x27F0] =	vst v0  }
0x18: {  	[tilespmem:$0x2800] =	vst v1  }
0x19: {  	[tilespmem:$0x2810] =	vst v1  }
0x1a: {  	[tilespmem:$0x2820] =	vst v1  }
0x1b: {  	[tilespmem:$0x2830] =	vst v1  }
0x1c: {  	[tilespmem:$0x2840] =	vst v1  }
0x1d: {  	[tilespmem:$0x2850] =	vst v1  }
0x1e: {  	[tilespmem:$0x2860] =	vst v1  }
0x1f: {  	[tilespmem:$0x2870] =	vst v1  }
0x20: {  	[tilespmem:$0x2880] =	vst v1  }
0x21: {  	[tilespmem:$0x2890] =	vst v1  }
0x22: {  	[tilespmem:$0x28A0] =	vst v1  }
0x23: {  	[tilespmem:$0x28B0] =	vst v1  }
0x24: {  	[tilespmem:$0x28C0] =	vst v1  }
0x25: {  	[tilespmem:$0x28D0] =	vst v1  }
0x26: {  	[tilespmem:$0x28E0] =	vst v1  }
0x27: {  	[tilespmem:$0x28F0] =	vst v1  }
0x28: {  	[tilespmem:$0x2900] =	vst v1  }
0x29: {  	[tilespmem:$0x2910] =	vst v1  }
0x2a: {  	[tilespmem:$0x2920] =	vst v1  }
0x2b: {  	[tilespmem:$0x2930] =	vst v1  }
0x2c: {  	[tilespmem:$0x2940] =	vst v1  }
0x2d: {  	[tilespmem:$0x2950] =	vst v1  }
0x2e: {  	[tilespmem:$0x2960] =	vst v1  }
0x2f: {  	[tilespmem:$0x2970] =	vst v1  }
0x30: {  	[tilespmem:$0x2980] =	vst v1  }
0x31: {  	[tilespmem:$0x2990] =	vst v1  }
0x32: {  	[tilespmem:$0x29A0] =	vst v1  }
0x33: {  	[tilespmem:$0x29B0] =	vst v1  }
0x34: {  	[tilespmem:$0x29C0] =	vst v1  }
0x35: {  	[tilespmem:$0x29D0] =	vst v1  }
0x36: {  	[tilespmem:$0x29E0] =	vst v1  }
0x37: {  	[tilespmem:$0x29F0] =	vst v1  }
0x38: {  	[tilespmem:$0x2A00] =	vst v1  }
0x39: {  	[tilespmem:$0x2A10] =	vst v1  }
0x3a: {  	[tilespmem:$0x2A20] =	vst v1  }
0x3b: {  	[tilespmem:$0x2A30] =	vst v1  }
0x3c: {  	[tilespmem:$0x2A40] =	vst v1  }
0x3d: {  	[tilespmem:$0x2A50] =	vst v1  }
0x3e: {  	[tilespmem:$0x2A60] =	vst v1  }
0x3f: {  	[tilespmem:$0x2A70] =	vst v1  }
0x40: {  	[spmem:s5] =	stream.linear.scatter [tilespmem:s9], [sflag:$0x1], $0x280, $0x38;
	[tilespmem:$0x2D00] =	vst v63  }
0x41: {  	_ =	swait.ge [sflag:s8], $0x280  }
0x42: {  	[sflag:s8] =	ssyncset.done $0x0  }
0x43: {  	[sflag:s8] =	ssyncadd.s32 $0xFFFFFD80  }
0x44: {  	s13 =	simm.s32 $0x0;
	[bflag:$0x0] =	sbarrier.arrive $0xFFFF  }
0x45: {  	[spmem:s2] =	stream.indirect.scatter.add.f32 [tilespmem:s11], [sflag:$0x1], $0x1, s13, s10, $0xb8;
	[tilespmem:$0x2D00] =	vst v63  }
0x46: {  	_ =	swait.ge [sflag:s8], $0x80  }
0x47: {  	s13 =	simm.s32 $0x200;
	[sflag:s8] =	ssyncset.done $0x0  }
.LBB2_2:
0x48: {  	s14 =	sshra.s32 s13, $0x2;
	[sflag:s8] =	ssyncadd.s32 $0xFFFFFF80;
	p0 =	sne.s32 s13, $0x9C00  }
0x49: {  	[spmem:s2] =	stream.indirect.scatter.add.f32 [tilespmem:s11], [sflag:$0x1], $0x1, s14, s10, $0xb8;
	[tilespmem:$0x2D00] =	vst v63  }
.Ltmp0:
0x4a: {  	_ = 	snop;
	(pc) =	sbr.rel @p0 .LBB2_2-.Ltmp0, $4  }
0x4b: {  	_ = 	snop  }
0x4c: {  	s13 =	sadd.s32 $0x200, s13  }
0x4d: {  	_ =	swait.ge [sflag:s8], $0x80  }
0x4e: {  	[sflag:s8] =	ssyncset.done $0x0  }
0x4f: {  	[sflag:s8] =	ssyncadd.s32 $0xFFFFFF80  }
0x50: {  	[bflag:$0x0] =	sbarrier.arrive $0xFFFF  }
0x51: {  	[tilespmem:s9], [sflag:$0x1] =	stream.linear.gather [spmem:s5], $0x280, $0x38;
	[tilespmem:$0x2D00] =	vst v63  }
0x52: {  	s12 =	sadd.s32 $0x1, s12;
	_ =	swait.ge [sflag:s8], $0x280  }
0x53: {  	p0 =	sne.s32 s12, s7;
	[sflag:s8] =	ssyncset.done $0x0  }
.Ltmp1:
0x54: {  	[sflag:s8] =	ssyncadd.s32 $0xFFFFFD80;
	(pc) =	sbr.rel @p0 .LBB2_1-.Ltmp1, $4  }
0x55: {  	[hbm4b:s6+s3] =	stream.linear.scatter [tilespmem:s9], [sflag:$0x1], $0x280, $0x38;
	[tilespmem:$0x2D00] =	vst v63  }
0x56: {  	_ =	swait.ge [sflag:s8], $0x280  }
0x57: {  	[sflag:s8] =	ssyncset.done $0x0  }
0x58: {  	[sflag:s8] =	ssyncadd.s32 $0xFFFFFD80  }
0x59: {  	_ =	sfence.sel $0x180000  }
0x5a: {  	[bflag:$0x0] =	sbarrier.arrive $0xFFFF  }
0x5b: {  	p0 =	sne.s32 s1, $0x0;
	_ =	strace $0x90000047  }
0x5c: {  	s0 =	sadd.s32 @!p0 $0x100000, s0;
	[bflag:$0x2] =	sbarrier.arrive $0xFFFF  }
0x5d: {  	[sflag:s0] =	ssyncadd.tile.s32 @!p0 $0x1;
	_ =	shalt  }
.Lfunc_end2:
_tile_overlayer_lowered:
.L_overlay_start_2:
0x5e: {  	(tag) =	ssettag $0x2  }
0x5f: {  	s0 =	rddreg [dreg:$0x0];
	s2 =	stileid.u32  }
0x60: {  	s1 =	rddreg [dreg:$0x1];
	p0 =	sne.s32 s2, $0x0  }
0x61: {  	s3 =	rddreg [dreg:$0x2];
	[bflag:$0x3] =	sbarrier.arrive $0xFFFF;
	s2 =	simm.s32 @!p0 $0x1C01  }
0x62: {  	[timem:s3], [sflag:s2] =	dma.local @!p0 [hbm:s0], s1  }
0x63: {  	s0 =	simm.s32 @!p0 $0x1  }
0x64: {  	_ =	swait.ge @!p0 [sflag:s0], s1  }
0x65: {  	s1 =	ssub.s32 @!p0 $0x0, s1;
	[sflag:s0] =	ssyncset.done @!p0 $0x0  }
0x66: {  	[sflag:s0] =	ssyncadd.s32 @!p0 s1  }
0x67: {  	[bflag:$0x3] =	sbarrier.arrive $0xFFFF  }
0x68: {  	_ =	shalt  }

</sc_bundles>
